<compile_context>
chip_gen: v7x
topology: tpu7x:2x2x1
jax: 0.10.2.dev20260603
libtpu: 0.0.44.dev20260713+nightly
codegen_flags: <defaults>
</compile_context>

<pallas_src>
import functools

import jax
import jax.numpy as jnp
from jax import lax
from jax.experimental import pallas as pl
from jax.experimental.pallas import tpu as pltpu
from jax.experimental.pallas import tpu_sc as plsc

ROWS_PER_CHUNK = 8


@functools.cache
def _make_gather(b_total: int, l: int, v: int, d: int):
    info = plsc.get_sparse_core_info()
    nc, ns = info.num_cores, info.num_subcores
    nw = nc * ns
    assert b_total % nw == 0
    rows_per_w = b_total // nw
    assert rows_per_w % ROWS_PER_CHUNK == 0
    n_steps = rows_per_w // ROWS_PER_CHUNK
    assert n_steps % 2 == 0

    mesh = plsc.VectorSubcoreMesh(core_axis_name="c", subcore_axis_name="s")

    @functools.partial(
        pl.kernel,
        mesh=mesh,
        out_type=jax.ShapeDtypeStruct((b_total, l, d), jnp.float32),
        scratch_types=[
            pltpu.VMEM((rows_per_w, l), jnp.int32),
            pltpu.VMEM_SHARED((v, d), jnp.float32),
            pltpu.VMEM((2, ROWS_PER_CHUNK, l, d), jnp.float32),
            pltpu.SemaphoreType.DMA,
            pltpu.SemaphoreType.DMA,
            pltpu.SemaphoreType.DMA,
        ],
        compiler_params=pltpu.CompilerParams(use_tc_tiling_on_sc=False),
    )
    def gather_kernel(idx_hbm, table_hbm, out_hbm, idx_v, table_v, rows_v,
                      sg, ss0, ss1):
        wid = lax.axis_index("s") * nc + lax.axis_index("c")
        row_base = wid * rows_per_w
        ss = (ss0, ss1)

        pltpu.sync_copy(idx_hbm.at[pl.ds(row_base, rows_per_w)], idx_v)
        pltpu.sync_copy(table_hbm, table_v)

        def gather(step, slot):
            descs = [
                pltpu.async_copy(
                    table_v.at[idx_v.at[step * ROWS_PER_CHUNK + j]],
                    rows_v.at[slot, j], sg)
                for j in range(ROWS_PER_CHUNK)
            ]
            for desc in descs:
                desc.wait()

        def store_start(step, slot):
            dst = out_hbm.at[pl.ds(row_base + step * ROWS_PER_CHUNK,
                                   ROWS_PER_CHUNK)]
            pltpu.async_copy(rows_v.at[slot], dst, ss[slot])

        def store_wait(slot):
            dst = out_hbm.at[pl.ds(row_base, ROWS_PER_CHUNK)]
            pltpu.make_async_copy(rows_v.at[slot], dst, ss[slot]).wait()

        for b in (0, 1):
            gather(b, b)
            store_start(b, b)

        def body(g2, carry):
            for b in (0, 1):
                step = 2 * g2 + b
                store_wait(b)
                gather(step, b)
                store_start(step, b)
            return carry

        lax.fori_loop(1, n_steps // 2, body, 0)
        store_wait(0)
        store_wait(1)

    return gather_kernel


def kernel(channel_indices, table):
    b, l = channel_indices.shape
    idx = channel_indices.astype(jnp.int32)
    return _make_gather(b, l, table.shape[0], table.shape[1])(idx, table)

# --- scband reference (transcript-rebuilt; emitter-appended) ---
"""Pipeline reference for scband-channel-positional-embed-15307263443097 (READ-ONLY COPY).

The authoritative reference and input builder live on the scoring server;
editing this copy changes nothing except your own understanding.
"""

import jax, jax.numpy as jnp
import numpy as np

EMBED_DIM = 64
NUM_EMB = 144
B = 16384
L = 50

def setup_inputs(seed: int = 0) -> dict:
    key = jax.random.key(seed)
    k1, k2 = jax.random.split(key)
    channel_indices = jax.random.randint(k1, (B, L), 0, NUM_EMB, dtype=jnp.int64 if jax.config.jax_enable_x64 else jnp.int32)
    # nn.Embedding weight initialized to zeros via init.zeros_
    table = jnp.zeros((NUM_EMB, EMBED_DIM), dtype=jnp.float32)
    return {"channel_indices": channel_indices, "table": table}

def reference(channel_indices, table):
    # faithful translation of nn.Embedding lookup
    return jnp.take(table, channel_indices, axis=0)

if __name__ == "__main__":
    import jax
    _d = setup_inputs()
    print(jax.jit(kernel)(*tuple(_d.values())))

</pallas_src>

<mosaic_0001>
#map = affine_map<(d0, d1) -> (0, 0)>
#map1 = affine_map<(d0, d1) -> (0, 0, 0)>
module attributes {stable_mosaic.version = 14 : i64} {
  func.func @gather_kernel(%arg0: i32, %arg1: i32, %arg2: memref<16384x50xi32, #tpu.memory_space<hbm>>, %arg3: memref<144x64xf32, #tpu.memory_space<hbm>>, %arg4: memref<16384x50x64xf32, #tpu.memory_space<hbm>>, %arg5: memref<512x50xi32, #tpu.memory_space<vmem>>, %arg6: memref<144x64xf32, #tpu.memory_space<vmem_shared>>, %arg7: memref<2x8x50x64xf32, #tpu.memory_space<vmem>>, %arg8: memref<!tpu.dma_semaphore, #tpu.memory_space<semaphore_mem>>, %arg9: memref<!tpu.dma_semaphore, #tpu.memory_space<semaphore_mem>>, %arg10: memref<!tpu.dma_semaphore, #tpu.memory_space<semaphore_mem>>) attributes {dimension_semantics = [#tpu.dimension_semantics<core_parallel>, #tpu.dimension_semantics<subcore_parallel>], iteration_bounds = array<i64: 2, 16>, scalar_prefetch = 0 : i64, scratch_operands = 6 : i64, tpu.core_type = #tpu.core_type<sc_vector_subcore>, window_params = [{transform_indices = #map}, {transform_indices = #map}, {transform_indices = #map1}]} {
    %mul3A = arith.constant 2 : i32
    %mul3A_0 = arith.muli %arg1, %mul3A : i32
    %add3A = arith.addi %mul3A_0, %arg0 : i32
    %mul3A_1 = arith.constant 512 : i32
    %mul3A_2 = arith.muli %add3A, %mul3A_1 : i32
    "tpu.region"() ({
      %run_scoped3A = tpu.sem_alloc : memref<!tpu.dma_semaphore, #tpu.memory_space<semaphore_mem>>
      %dma_start3A_494 = arith.constant 0 : i32
      %dma_start3A_495 = tpu.memref_slice %arg2[%mul3A_2, %dma_start3A_494] : memref<16384x50xi32, #tpu.memory_space<hbm>> -> memref<512x50xi32, #tpu.memory_space<hbm>>
      %dma_start3A_496 = arith.constant 0 : i32
      %dma_start3A_497 = tpu.memref_slice %arg2[%mul3A_2, %dma_start3A_496] : memref<16384x50xi32, #tpu.memory_space<hbm>> -> memref<512x50xi32, #tpu.memory_space<hbm>>
      tpu.enqueue_dma source(%dma_start3A_497 : memref<512x50xi32, #tpu.memory_space<hbm>>) target(%arg5 : memref<512x50xi32, #tpu.memory_space<vmem>>) target_semaphore(%run_scoped3A : memref<!tpu.dma_semaphore, #tpu.memory_space<semaphore_mem>>)
      %dma_wait3A_498 = arith.constant 0 : i32
      %dma_wait3A_499 = tpu.memref_slice %arg2[%mul3A_2, %dma_wait3A_498] : memref<16384x50xi32, #tpu.memory_space<hbm>> -> memref<512x50xi32, #tpu.memory_space<hbm>>
      %dma_wait3A_500 = arith.constant 0 : i32
      %dma_wait3A_501 = tpu.memref_slice %arg2[%mul3A_2, %dma_wait3A_500] : memref<16384x50xi32, #tpu.memory_space<hbm>> -> memref<512x50xi32, #tpu.memory_space<hbm>>
      tpu.wait_dma2 semaphore(%run_scoped3A : memref<!tpu.dma_semaphore, #tpu.memory_space<semaphore_mem>>) src(%dma_wait3A_501 : memref<512x50xi32, #tpu.memory_space<hbm>>) dst(%arg5 : memref<512x50xi32, #tpu.memory_space<vmem>>)
      tpu.yield
    }) : () -> ()
    "tpu.region"() ({
      %run_scoped3A = tpu.sem_alloc : memref<!tpu.dma_semaphore, #tpu.memory_space<semaphore_mem>>
      tpu.enqueue_dma source(%arg3 : memref<144x64xf32, #tpu.memory_space<hbm>>) target(%arg6 : memref<144x64xf32, #tpu.memory_space<vmem_shared>>) target_semaphore(%run_scoped3A : memref<!tpu.dma_semaphore, #tpu.memory_space<semaphore_mem>>)
      tpu.wait_dma2 semaphore(%run_scoped3A : memref<!tpu.dma_semaphore, #tpu.memory_space<semaphore_mem>>) src(%arg3 : memref<144x64xf32, #tpu.memory_space<hbm>>) dst(%arg6 : memref<144x64xf32, #tpu.memory_space<vmem_shared>>)
      tpu.yield
    }) : () -> ()
    %dma_start3A = arith.constant 0 : i32
    %dma_start3A_3 = arith.constant 0 : i32
    %dma_start3A_4 = arith.constant 0 : i32
    %dma_start3A_5 = arith.constant 0 : i32
    %dma_start3A_6 = arith.constant 0 : i32
    %dma_start3A_7 = tpu.memref_slice %arg7[%dma_start3A_3, %dma_start3A_4, %dma_start3A_5, %dma_start3A_6] : memref<2x8x50x64xf32, #tpu.memory_space<vmem>> -> memref<1x1x50x64xf32, #tpu.memory_space<vmem>>
    %dma_start3A_8 = tpu.memref_squeeze %dma_start3A_7 : memref<1x1x50x64xf32, #tpu.memory_space<vmem>> -> memref<50x64xf32, #tpu.memory_space<vmem>>
    %dma_start3A_9 = arith.constant 0 : i32
    %dma_start3A_10 = tpu.memref_slice %arg5[%dma_start3A, %dma_start3A_9] : memref<512x50xi32, #tpu.memory_space<vmem>> -> memref<1x50xi32, #tpu.memory_space<vmem>>
    %dma_start3A_11 = tpu.memref_squeeze %dma_start3A_10 : memref<1x50xi32, #tpu.memory_space<vmem>> -> memref<50xi32, #tpu.memory_space<vmem>>
    %dma_start3A_12 = arith.constant 0 : i32
    %dma_start3A_13 = arith.constant 0 : i32
    %dma_start3A_14 = tpu.memref_slice %arg6[%dma_start3A_12, %dma_start3A_13] : memref<144x64xf32, #tpu.memory_space<vmem_shared>> -> memref<144x64xf32, #tpu.memory_space<vmem_shared>>
    tpu.enqueue_indirect_dma source(%dma_start3A_14 : memref<144x64xf32, #tpu.memory_space<vmem_shared>>) target(%dma_start3A_8 : memref<50x64xf32, #tpu.memory_space<vmem>>) offsets(%dma_start3A_11 : memref<50xi32, #tpu.memory_space<vmem>>) semaphore(%arg8 : memref<!tpu.dma_semaphore, #tpu.memory_space<semaphore_mem>>)
    %dma_start3A_15 = arith.constant 1 : i32
    %dma_start3A_16 = arith.constant 0 : i32
    %dma_start3A_17 = arith.constant 1 : i32
    %dma_start3A_18 = arith.constant 0 : i32
    %dma_start3A_19 = arith.constant 0 : i32
    %dma_start3A_20 = tpu.memref_slice %arg7[%dma_start3A_16, %dma_start3A_17, %dma_start3A_18, %dma_start3A_19] : memref<2x8x50x64xf32, #tpu.memory_space<vmem>> -> memref<1x1x50x64xf32, #tpu.memory_space<vmem>>
    %dma_start3A_21 = tpu.memref_squeeze %dma_start3A_20 : memref<1x1x50x64xf32, #tpu.memory_space<vmem>> -> memref<50x64xf32, #tpu.memory_space<vmem>>
    %dma_start3A_22 = arith.constant 0 : i32
    %dma_start3A_23 = tpu.memref_slice %arg5[%dma_start3A_15, %dma_start3A_22] : memref<512x50xi32, #tpu.memory_space<vmem>> -> memref<1x50xi32, #tpu.memory_space<vmem>>
    %dma_start3A_24 = tpu.memref_squeeze %dma_start3A_23 : memref<1x50xi32, #tpu.memory_space<vmem>> -> memref<50xi32, #tpu.memory_space<vmem>>
    %dma_start3A_25 = arith.constant 0 : i32
    %dma_start3A_26 = arith.constant 0 : i32
    %dma_start3A_27 = tpu.memref_slice %arg6[%dma_start3A_25, %dma_start3A_26] : memref<144x64xf32, #tpu.memory_space<vmem_shared>> -> memref<144x64xf32, #tpu.memory_space<vmem_shared>>
    tpu.enqueue_indirect_dma source(%dma_start3A_27 : memref<144x64xf32, #tpu.memory_space<vmem_shared>>) target(%dma_start3A_21 : memref<50x64xf32, #tpu.memory_space<vmem>>) offsets(%dma_start3A_24 : memref<50xi32, #tpu.memory_space<vmem>>) semaphore(%arg8 : memref<!tpu.dma_semaphore, #tpu.memory_space<semaphore_mem>>)
    %dma_start3A_28 = arith.constant 2 : i32
    %dma_start3A_29 = arith.constant 0 : i32
    %dma_start3A_30 = arith.constant 2 : i32
    %dma_start3A_31 = arith.constant 0 : i32
    %dma_start3A_32 = arith.constant 0 : i32
    %dma_start3A_33 = tpu.memref_slice %arg7[%dma_start3A_29, %dma_start3A_30, %dma_start3A_31, %dma_start3A_32] : memref<2x8x50x64xf32, #tpu.memory_space<vmem>> -> memref<1x1x50x64xf32, #tpu.memory_space<vmem>>
    %dma_start3A_34 = tpu.memref_squeeze %dma_start3A_33 : memref<1x1x50x64xf32, #tpu.memory_space<vmem>> -> memref<50x64xf32, #tpu.memory_space<vmem>>
    %dma_start3A_35 = arith.constant 0 : i32
    %dma_start3A_36 = tpu.memref_slice %arg5[%dma_start3A_28, %dma_start3A_35] : memref<512x50xi32, #tpu.memory_space<vmem>> -> memref<1x50xi32, #tpu.memory_space<vmem>>
    %dma_start3A_37 = tpu.memref_squeeze %dma_start3A_36 : memref<1x50xi32, #tpu.memory_space<vmem>> -> memref<50xi32, #tpu.memory_space<vmem>>
    %dma_start3A_38 = arith.constant 0 : i32
    %dma_start3A_39 = arith.constant 0 : i32
    %dma_start3A_40 = tpu.memref_slice %arg6[%dma_start3A_38, %dma_start3A_39] : memref<144x64xf32, #tpu.memory_space<vmem_shared>> -> memref<144x64xf32, #tpu.memory_space<vmem_shared>>
    tpu.enqueue_indirect_dma source(%dma_start3A_40 : memref<144x64xf32, #tpu.memory_space<vmem_shared>>) target(%dma_start3A_34 : memref<50x64xf32, #tpu.memory_space<vmem>>) offsets(%dma_start3A_37 : memref<50xi32, #tpu.memory_space<vmem>>) semaphore(%arg8 : memref<!tpu.dma_semaphore, #tpu.memory_space<semaphore_mem>>)
    %dma_start3A_41 = arith.constant 3 : i32
    %dma_start3A_42 = arith.constant 0 : i32
    %dma_start3A_43 = arith.constant 3 : i32
    %dma_start3A_44 = arith.constant 0 : i32
    %dma_start3A_45 = arith.constant 0 : i32
    %dma_start3A_46 = tpu.memref_slice %arg7[%dma_start3A_42, %dma_start3A_43, %dma_start3A_44, %dma_start3A_45] : memref<2x8x50x64xf32, #tpu.memory_space<vmem>> -> memref<1x1x50x64xf32, #tpu.memory_space<vmem>>
    %dma_start3A_47 = tpu.memref_squeeze %dma_start3A_46 : memref<1x1x50x64xf32, #tpu.memory_space<vmem>> -> memref<50x64xf32, #tpu.memory_space<vmem>>
    %dma_start3A_48 = arith.constant 0 : i32
    %dma_start3A_49 = tpu.memref_slice %arg5[%dma_start3A_41, %dma_start3A_48] : memref<512x50xi32, #tpu.memory_space<vmem>> -> memref<1x50xi32, #tpu.memory_space<vmem>>
    %dma_start3A_50 = tpu.memref_squeeze %dma_start3A_49 : memref<1x50xi32, #tpu.memory_space<vmem>> -> memref<50xi32, #tpu.memory_space<vmem>>
    %dma_start3A_51 = arith.constant 0 : i32
    %dma_start3A_52 = arith.constant 0 : i32
    %dma_start3A_53 = tpu.memref_slice %arg6[%dma_start3A_51, %dma_start3A_52] : memref<144x64xf32, #tpu.memory_space<vmem_shared>> -> memref<144x64xf32, #tpu.memory_space<vmem_shared>>
    tpu.enqueue_indirect_dma source(%dma_start3A_53 : memref<144x64xf32, #tpu.memory_space<vmem_shared>>) target(%dma_start3A_47 : memref<50x64xf32, #tpu.memory_space<vmem>>) offsets(%dma_start3A_50 : memref<50xi32, #tpu.memory_space<vmem>>) semaphore(%arg8 : memref<!tpu.dma_semaphore, #tpu.memory_space<semaphore_mem>>)
    %dma_start3A_54 = arith.constant 4 : i32
    %dma_start3A_55 = arith.constant 0 : i32
    %dma_start3A_56 = arith.constant 4 : i32
    %dma_start3A_57 = arith.constant 0 : i32
    %dma_start3A_58 = arith.constant 0 : i32
    %dma_start3A_59 = tpu.memref_slice %arg7[%dma_start3A_55, %dma_start3A_56, %dma_start3A_57, %dma_start3A_58] : memref<2x8x50x64xf32, #tpu.memory_space<vmem>> -> memref<1x1x50x64xf32, #tpu.memory_space<vmem>>
    %dma_start3A_60 = tpu.memref_squeeze %dma_start3A_59 : memref<1x1x50x64xf32, #tpu.memory_space<vmem>> -> memref<50x64xf32, #tpu.memory_space<vmem>>
    %dma_start3A_61 = arith.constant 0 : i32
    %dma_start3A_62 = tpu.memref_slice %arg5[%dma_start3A_54, %dma_start3A_61] : memref<512x50xi32, #tpu.memory_space<vmem>> -> memref<1x50xi32, #tpu.memory_space<vmem>>
    %dma_start3A_63 = tpu.memref_squeeze %dma_start3A_62 : memref<1x50xi32, #tpu.memory_space<vmem>> -> memref<50xi32, #tpu.memory_space<vmem>>
    %dma_start3A_64 = arith.constant 0 : i32
    %dma_start3A_65 = arith.constant 0 : i32
    %dma_start3A_66 = tpu.memref_slice %arg6[%dma_start3A_64, %dma_start3A_65] : memref<144x64xf32, #tpu.memory_space<vmem_shared>> -> memref<144x64xf32, #tpu.memory_space<vmem_shared>>
    tpu.enqueue_indirect_dma source(%dma_start3A_66 : memref<144x64xf32, #tpu.memory_space<vmem_shared>>) target(%dma_start3A_60 : memref<50x64xf32, #tpu.memory_space<vmem>>) offsets(%dma_start3A_63 : memref<50xi32, #tpu.memory_space<vmem>>) semaphore(%arg8 : memref<!tpu.dma_semaphore, #tpu.memory_space<semaphore_mem>>)
    %dma_start3A_67 = arith.constant 5 : i32
    %dma_start3A_68 = arith.constant 0 : i32
    %dma_start3A_69 = arith.constant 5 : i32
    %dma_start3A_70 = arith.constant 0 : i32
    %dma_start3A_71 = arith.constant 0 : i32
    %dma_start3A_72 = tpu.memref_slice %arg7[%dma_start3A_68, %dma_start3A_69, %dma_start3A_70, %dma_start3A_71] : memref<2x8x50x64xf32, #tpu.memory_space<vmem>> -> memref<1x1x50x64xf32, #tpu.memory_space<vmem>>
    %dma_start3A_73 = tpu.memref_squeeze %dma_start3A_72 : memref<1x1x50x64xf32, #tpu.memory_space<vmem>> -> memref<50x64xf32, #tpu.memory_space<vmem>>
    %dma_start3A_74 = arith.constant 0 : i32
    %dma_start3A_75 = tpu.memref_slice %arg5[%dma_start3A_67, %dma_start3A_74] : memref<512x50xi32, #tpu.memory_space<vmem>> -> memref<1x50xi32, #tpu.memory_space<vmem>>
    %dma_start3A_76 = tpu.memref_squeeze %dma_start3A_75 : memref<1x50xi32, #tpu.memory_space<vmem>> -> memref<50xi32, #tpu.memory_space<vmem>>
    %dma_start3A_77 = arith.constant 0 : i32
    %dma_start3A_78 = arith.constant 0 : i32
    %dma_start3A_79 = tpu.memref_slice %arg6[%dma_start3A_77, %dma_start3A_78] : memref<144x64xf32, #tpu.memory_space<vmem_shared>> -> memref<144x64xf32, #tpu.memory_space<vmem_shared>>
    tpu.enqueue_indirect_dma source(%dma_start3A_79 : memref<144x64xf32, #tpu.memory_space<vmem_shared>>) target(%dma_start3A_73 : memref<50x64xf32, #tpu.memory_space<vmem>>) offsets(%dma_start3A_76 : memref<50xi32, #tpu.memory_space<vmem>>) semaphore(%arg8 : memref<!tpu.dma_semaphore, #tpu.memory_space<semaphore_mem>>)
    %dma_start3A_80 = arith.constant 6 : i32
    %dma_start3A_81 = arith.constant 0 : i32
    %dma_start3A_82 = arith.constant 6 : i32
    %dma_start3A_83 = arith.constant 0 : i32
    %dma_start3A_84 = arith.constant 0 : i32
    %dma_start3A_85 = tpu.memref_slice %arg7[%dma_start3A_81, %dma_start3A_82, %dma_start3A_83, %dma_start3A_84] : memref<2x8x50x64xf32, #tpu.memory_space<vmem>> -> memref<1x1x50x64xf32, #tpu.memory_space<vmem>>
    %dma_start3A_86 = tpu.memref_squeeze %dma_start3A_85 : memref<1x1x50x64xf32, #tpu.memory_space<vmem>> -> memref<50x64xf32, #tpu.memory_space<vmem>>
    %dma_start3A_87 = arith.constant 0 : i32
    %dma_start3A_88 = tpu.memref_slice %arg5[%dma_start3A_80, %dma_start3A_87] : memref<512x50xi32, #tpu.memory_space<vmem>> -> memref<1x50xi32, #tpu.memory_space<vmem>>
    %dma_start3A_89 = tpu.memref_squeeze %dma_start3A_88 : memref<1x50xi32, #tpu.memory_space<vmem>> -> memref<50xi32, #tpu.memory_space<vmem>>
    %dma_start3A_90 = arith.constant 0 : i32
    %dma_start3A_91 = arith.constant 0 : i32
    %dma_start3A_92 = tpu.memref_slice %arg6[%dma_start3A_90, %dma_start3A_91] : memref<144x64xf32, #tpu.memory_space<vmem_shared>> -> memref<144x64xf32, #tpu.memory_space<vmem_shared>>
    tpu.enqueue_indirect_dma source(%dma_start3A_92 : memref<144x64xf32, #tpu.memory_space<vmem_shared>>) target(%dma_start3A_86 : memref<50x64xf32, #tpu.memory_space<vmem>>) offsets(%dma_start3A_89 : memref<50xi32, #tpu.memory_space<vmem>>) semaphore(%arg8 : memref<!tpu.dma_semaphore, #tpu.memory_space<semaphore_mem>>)
    %dma_start3A_93 = arith.constant 7 : i32
    %dma_start3A_94 = arith.constant 0 : i32
    %dma_start3A_95 = arith.constant 7 : i32
    %dma_start3A_96 = arith.constant 0 : i32
    %dma_start3A_97 = arith.constant 0 : i32
    %dma_start3A_98 = tpu.memref_slice %arg7[%dma_start3A_94, %dma_start3A_95, %dma_start3A_96, %dma_start3A_97] : memref<2x8x50x64xf32, #tpu.memory_space<vmem>> -> memref<1x1x50x64xf32, #tpu.memory_space<vmem>>
    %dma_start3A_99 = tpu.memref_squeeze %dma_start3A_98 : memref<1x1x50x64xf32, #tpu.memory_space<vmem>> -> memref<50x64xf32, #tpu.memory_space<vmem>>
    %dma_start3A_100 = arith.constant 0 : i32
    %dma_start3A_101 = tpu.memref_slice %arg5[%dma_start3A_93, %dma_start3A_100] : memref<512x50xi32, #tpu.memory_space<vmem>> -> memref<1x50xi32, #tpu.memory_space<vmem>>
    %dma_start3A_102 = tpu.memref_squeeze %dma_start3A_101 : memref<1x50xi32, #tpu.memory_space<vmem>> -> memref<50xi32, #tpu.memory_space<vmem>>
    %dma_start3A_103 = arith.constant 0 : i32
    %dma_start3A_104 = arith.constant 0 : i32
    %dma_start3A_105 = tpu.memref_slice %arg6[%dma_start3A_103, %dma_start3A_104] : memref<144x64xf32, #tpu.memory_space<vmem_shared>> -> memref<144x64xf32, #tpu.memory_space<vmem_shared>>
    tpu.enqueue_indirect_dma source(%dma_start3A_105 : memref<144x64xf32, #tpu.memory_space<vmem_shared>>) target(%dma_start3A_99 : memref<50x64xf32, #tpu.memory_space<vmem>>) offsets(%dma_start3A_102 : memref<50xi32, #tpu.memory_space<vmem>>) semaphore(%arg8 : memref<!tpu.dma_semaphore, #tpu.memory_space<semaphore_mem>>)
    %dma_wait3A = arith.constant 0 : i32
    %dma_wait3A_106 = arith.constant 0 : i32
    %dma_wait3A_107 = arith.constant 0 : i32
    %dma_wait3A_108 = arith.constant 0 : i32
    %dma_wait3A_109 = arith.constant 0 : i32
    %dma_wait3A_110 = tpu.memref_slice %arg7[%dma_wait3A_106, %dma_wait3A_107, %dma_wait3A_108, %dma_wait3A_109] : memref<2x8x50x64xf32, #tpu.memory_space<vmem>> -> memref<1x1x50x64xf32, #tpu.memory_space<vmem>>
    %dma_wait3A_111 = tpu.memref_squeeze %dma_wait3A_110 : memref<1x1x50x64xf32, #tpu.memory_space<vmem>> -> memref<50x64xf32, #tpu.memory_space<vmem>>
    %dma_wait3A_112 = arith.constant 0 : i32
    %dma_wait3A_113 = tpu.memref_slice %arg5[%dma_wait3A, %dma_wait3A_112] : memref<512x50xi32, #tpu.memory_space<vmem>> -> memref<1x50xi32, #tpu.memory_space<vmem>>
    %dma_wait3A_114 = tpu.memref_squeeze %dma_wait3A_113 : memref<1x50xi32, #tpu.memory_space<vmem>> -> memref<50xi32, #tpu.memory_space<vmem>>
    %dma_wait3A_115 = arith.constant 0 : i32
    %dma_wait3A_116 = arith.constant 0 : i32
    %dma_wait3A_117 = tpu.memref_slice %arg6[%dma_wait3A_115, %dma_wait3A_116] : memref<144x64xf32, #tpu.memory_space<vmem_shared>> -> memref<144x64xf32, #tpu.memory_space<vmem_shared>>
    tpu.wait_indirect_dma semaphore(%arg8 : memref<!tpu.dma_semaphore, #tpu.memory_space<semaphore_mem>>) src(%dma_wait3A_117 : memref<144x64xf32, #tpu.memory_space<vmem_shared>>) dst(%dma_wait3A_111 : memref<50x64xf32, #tpu.memory_space<vmem>>)
    %dma_wait3A_118 = arith.constant 1 : i32
    %dma_wait3A_119 = arith.constant 0 : i32
    %dma_wait3A_120 = arith.constant 1 : i32
    %dma_wait3A_121 = arith.constant 0 : i32
    %dma_wait3A_122 = arith.constant 0 : i32
    %dma_wait3A_123 = tpu.memref_slice %arg7[%dma_wait3A_119, %dma_wait3A_120, %dma_wait3A_121, %dma_wait3A_122] : memref<2x8x50x64xf32, #tpu.memory_space<vmem>> -> memref<1x1x50x64xf32, #tpu.memory_space<vmem>>
    %dma_wait3A_124 = tpu.memref_squeeze %dma_wait3A_123 : memref<1x1x50x64xf32, #tpu.memory_space<vmem>> -> memref<50x64xf32, #tpu.memory_space<vmem>>
    %dma_wait3A_125 = arith.constant 0 : i32
    %dma_wait3A_126 = tpu.memref_slice %arg5[%dma_wait3A_118, %dma_wait3A_125] : memref<512x50xi32, #tpu.memory_space<vmem>> -> memref<1x50xi32, #tpu.memory_space<vmem>>
    %dma_wait3A_127 = tpu.memref_squeeze %dma_wait3A_126 : memref<1x50xi32, #tpu.memory_space<vmem>> -> memref<50xi32, #tpu.memory_space<vmem>>
    %dma_wait3A_128 = arith.constant 0 : i32
    %dma_wait3A_129 = arith.constant 0 : i32
    %dma_wait3A_130 = tpu.memref_slice %arg6[%dma_wait3A_128, %dma_wait3A_129] : memref<144x64xf32, #tpu.memory_space<vmem_shared>> -> memref<144x64xf32, #tpu.memory_space<vmem_shared>>
    tpu.wait_indirect_dma semaphore(%arg8 : memref<!tpu.dma_semaphore, #tpu.memory_space<semaphore_mem>>) src(%dma_wait3A_130 : memref<144x64xf32, #tpu.memory_space<vmem_shared>>) dst(%dma_wait3A_124 : memref<50x64xf32, #tpu.memory_space<vmem>>)
    %dma_wait3A_131 = arith.constant 2 : i32
    %dma_wait3A_132 = arith.constant 0 : i32
    %dma_wait3A_133 = arith.constant 2 : i32
    %dma_wait3A_134 = arith.constant 0 : i32
    %dma_wait3A_135 = arith.constant 0 : i32
    %dma_wait3A_136 = tpu.memref_slice %arg7[%dma_wait3A_132, %dma_wait3A_133, %dma_wait3A_134, %dma_wait3A_135] : memref<2x8x50x64xf32, #tpu.memory_space<vmem>> -> memref<1x1x50x64xf32, #tpu.memory_space<vmem>>
    %dma_wait3A_137 = tpu.memref_squeeze %dma_wait3A_136 : memref<1x1x50x64xf32, #tpu.memory_space<vmem>> -> memref<50x64xf32, #tpu.memory_space<vmem>>
    %dma_wait3A_138 = arith.constant 0 : i32
    %dma_wait3A_139 = tpu.memref_slice %arg5[%dma_wait3A_131, %dma_wait3A_138] : memref<512x50xi32, #tpu.memory_space<vmem>> -> memref<1x50xi32, #tpu.memory_space<vmem>>
    %dma_wait3A_140 = tpu.memref_squeeze %dma_wait3A_139 : memref<1x50xi32, #tpu.memory_space<vmem>> -> memref<50xi32, #tpu.memory_space<vmem>>
    %dma_wait3A_141 = arith.constant 0 : i32
    %dma_wait3A_142 = arith.constant 0 : i32
    %dma_wait3A_143 = tpu.memref_slice %arg6[%dma_wait3A_141, %dma_wait3A_142] : memref<144x64xf32, #tpu.memory_space<vmem_shared>> -> memref<144x64xf32, #tpu.memory_space<vmem_shared>>
    tpu.wait_indirect_dma semaphore(%arg8 : memref<!tpu.dma_semaphore, #tpu.memory_space<semaphore_mem>>) src(%dma_wait3A_143 : memref<144x64xf32, #tpu.memory_space<vmem_shared>>) dst(%dma_wait3A_137 : memref<50x64xf32, #tpu.memory_space<vmem>>)
    %dma_wait3A_144 = arith.constant 3 : i32
    %dma_wait3A_145 = arith.constant 0 : i32
    %dma_wait3A_146 = arith.constant 3 : i32
    %dma_wait3A_147 = arith.constant 0 : i32
    %dma_wait3A_148 = arith.constant 0 : i32
    %dma_wait3A_149 = tpu.memref_slice %arg7[%dma_wait3A_145, %dma_wait3A_146, %dma_wait3A_147, %dma_wait3A_148] : memref<2x8x50x64xf32, #tpu.memory_space<vmem>> -> memref<1x1x50x64xf32, #tpu.memory_space<vmem>>
    %dma_wait3A_150 = tpu.memref_squeeze %dma_wait3A_149 : memref<1x1x50x64xf32, #tpu.memory_space<vmem>> -> memref<50x64xf32, #tpu.memory_space<vmem>>
    %dma_wait3A_151 = arith.constant 0 : i32
    %dma_wait3A_152 = tpu.memref_slice %arg5[%dma_wait3A_144, %dma_wait3A_151] : memref<512x50xi32, #tpu.memory_space<vmem>> -> memref<1x50xi32, #tpu.memory_space<vmem>>
    %dma_wait3A_153 = tpu.memref_squeeze %dma_wait3A_152 : memref<1x50xi32, #tpu.memory_space<vmem>> -> memref<50xi32, #tpu.memory_space<vmem>>
    %dma_wait3A_154 = arith.constant 0 : i32
    %dma_wait3A_155 = arith.constant 0 : i32
    %dma_wait3A_156 = tpu.memref_slice %arg6[%dma_wait3A_154, %dma_wait3A_155] : memref<144x64xf32, #tpu.memory_space<vmem_shared>> -> memref<144x64xf32, #tpu.memory_space<vmem_shared>>
    tpu.wait_indirect_dma semaphore(%arg8 : memref<!tpu.dma_semaphore, #tpu.memory_space<semaphore_mem>>) src(%dma_wait3A_156 : memref<144x64xf32, #tpu.memory_space<vmem_shared>>) dst(%dma_wait3A_150 : memref<50x64xf32, #tpu.memory_space<vmem>>)
    %dma_wait3A_157 = arith.constant 4 : i32
    %dma_wait3A_158 = arith.constant 0 : i32
    %dma_wait3A_159 = arith.constant 4 : i32
    %dma_wait3A_160 = arith.constant 0 : i32
    %dma_wait3A_161 = arith.constant 0 : i32
    %dma_wait3A_162 = tpu.memref_slice %arg7[%dma_wait3A_158, %dma_wait3A_159, %dma_wait3A_160, %dma_wait3A_161] : memref<2x8x50x64xf32, #tpu.memory_space<vmem>> -> memref<1x1x50x64xf32, #tpu.memory_space<vmem>>
    %dma_wait3A_163 = tpu.memref_squeeze %dma_wait3A_162 : memref<1x1x50x64xf32, #tpu.memory_space<vmem>> -> memref<50x64xf32, #tpu.memory_space<vmem>>
    %dma_wait3A_164 = arith.constant 0 : i32
    %dma_wait3A_165 = tpu.memref_slice %arg5[%dma_wait3A_157, %dma_wait3A_164] : memref<512x50xi32, #tpu.memory_space<vmem>> -> memref<1x50xi32, #tpu.memory_space<vmem>>
    %dma_wait3A_166 = tpu.memref_squeeze %dma_wait3A_165 : memref<1x50xi32, #tpu.memory_space<vmem>> -> memref<50xi32, #tpu.memory_space<vmem>>
    %dma_wait3A_167 = arith.constant 0 : i32
    %dma_wait3A_168 = arith.constant 0 : i32
    %dma_wait3A_169 = tpu.memref_slice %arg6[%dma_wait3A_167, %dma_wait3A_168] : memref<144x64xf32, #tpu.memory_space<vmem_shared>> -> memref<144x64xf32, #tpu.memory_space<vmem_shared>>
    tpu.wait_indirect_dma semaphore(%arg8 : memref<!tpu.dma_semaphore, #tpu.memory_space<semaphore_mem>>) src(%dma_wait3A_169 : memref<144x64xf32, #tpu.memory_space<vmem_shared>>) dst(%dma_wait3A_163 : memref<50x64xf32, #tpu.memory_space<vmem>>)
    %dma_wait3A_170 = arith.constant 5 : i32
    %dma_wait3A_171 = arith.constant 0 : i32
    %dma_wait3A_172 = arith.constant 5 : i32
    %dma_wait3A_173 = arith.constant 0 : i32
    %dma_wait3A_174 = arith.constant 0 : i32
    %dma_wait3A_175 = tpu.memref_slice %arg7[%dma_wait3A_171, %dma_wait3A_172, %dma_wait3A_173, %dma_wait3A_174] : memref<2x8x50x64xf32, #tpu.memory_space<vmem>> -> memref<1x1x50x64xf32, #tpu.memory_space<vmem>>
    %dma_wait3A_176 = tpu.memref_squeeze %dma_wait3A_175 : memref<1x1x50x64xf32, #tpu.memory_space<vmem>> -> memref<50x64xf32, #tpu.memory_space<vmem>>
    %dma_wait3A_177 = arith.constant 0 : i32
    %dma_wait3A_178 = tpu.memref_slice %arg5[%dma_wait3A_170, %dma_wait3A_177] : memref<512x50xi32, #tpu.memory_space<vmem>> -> memref<1x50xi32, #tpu.memory_space<vmem>>
    %dma_wait3A_179 = tpu.memref_squeeze %dma_wait3A_178 : memref<1x50xi32, #tpu.memory_space<vmem>> -> memref<50xi32, #tpu.memory_space<vmem>>
    %dma_wait3A_180 = arith.constant 0 : i32
    %dma_wait3A_181 = arith.constant 0 : i32
    %dma_wait3A_182 = tpu.memref_slice %arg6[%dma_wait3A_180, %dma_wait3A_181] : memref<144x64xf32, #tpu.memory_space<vmem_shared>> -> memref<144x64xf32, #tpu.memory_space<vmem_shared>>
    tpu.wait_indirect_dma semaphore(%arg8 : memref<!tpu.dma_semaphore, #tpu.memory_space<semaphore_mem>>) src(%dma_wait3A_182 : memref<144x64xf32, #tpu.memory_space<vmem_shared>>) dst(%dma_wait3A_176 : memref<50x64xf32, #tpu.memory_space<vmem>>)
    %dma_wait3A_183 = arith.constant 6 : i32
    %dma_wait3A_184 = arith.constant 0 : i32
    %dma_wait3A_185 = arith.constant 6 : i32
    %dma_wait3A_186 = arith.constant 0 : i32
    %dma_wait3A_187 = arith.constant 0 : i32
    %dma_wait3A_188 = tpu.memref_slice %arg7[%dma_wait3A_184, %dma_wait3A_185, %dma_wait3A_186, %dma_wait3A_187] : memref<2x8x50x64xf32, #tpu.memory_space<vmem>> -> memref<1x1x50x64xf32, #tpu.memory_space<vmem>>
    %dma_wait3A_189 = tpu.memref_squeeze %dma_wait3A_188 : memref<1x1x50x64xf32, #tpu.memory_space<vmem>> -> memref<50x64xf32, #tpu.memory_space<vmem>>
    %dma_wait3A_190 = arith.constant 0 : i32
    %dma_wait3A_191 = tpu.memref_slice %arg5[%dma_wait3A_183, %dma_wait3A_190] : memref<512x50xi32, #tpu.memory_space<vmem>> -> memref<1x50xi32, #tpu.memory_space<vmem>>
    %dma_wait3A_192 = tpu.memref_squeeze %dma_wait3A_191 : memref<1x50xi32, #tpu.memory_space<vmem>> -> memref<50xi32, #tpu.memory_space<vmem>>
    %dma_wait3A_193 = arith.constant 0 : i32
    %dma_wait3A_194 = arith.constant 0 : i32
    %dma_wait3A_195 = tpu.memref_slice %arg6[%dma_wait3A_193, %dma_wait3A_194] : memref<144x64xf32, #tpu.memory_space<vmem_shared>> -> memref<144x64xf32, #tpu.memory_space<vmem_shared>>
    tpu.wait_indirect_dma semaphore(%arg8 : memref<!tpu.dma_semaphore, #tpu.memory_space<semaphore_mem>>) src(%dma_wait3A_195 : memref<144x64xf32, #tpu.memory_space<vmem_shared>>) dst(%dma_wait3A_189 : memref<50x64xf32, #tpu.memory_space<vmem>>)
    %dma_wait3A_196 = arith.constant 7 : i32
    %dma_wait3A_197 = arith.constant 0 : i32
    %dma_wait3A_198 = arith.constant 7 : i32
    %dma_wait3A_199 = arith.constant 0 : i32
    %dma_wait3A_200 = arith.constant 0 : i32
    %dma_wait3A_201 = tpu.memref_slice %arg7[%dma_wait3A_197, %dma_wait3A_198, %dma_wait3A_199, %dma_wait3A_200] : memref<2x8x50x64xf32, #tpu.memory_space<vmem>> -> memref<1x1x50x64xf32, #tpu.memory_space<vmem>>
    %dma_wait3A_202 = tpu.memref_squeeze %dma_wait3A_201 : memref<1x1x50x64xf32, #tpu.memory_space<vmem>> -> memref<50x64xf32, #tpu.memory_space<vmem>>
    %dma_wait3A_203 = arith.constant 0 : i32
    %dma_wait3A_204 = tpu.memref_slice %arg5[%dma_wait3A_196, %dma_wait3A_203] : memref<512x50xi32, #tpu.memory_space<vmem>> -> memref<1x50xi32, #tpu.memory_space<vmem>>
    %dma_wait3A_205 = tpu.memref_squeeze %dma_wait3A_204 : memref<1x50xi32, #tpu.memory_space<vmem>> -> memref<50xi32, #tpu.memory_space<vmem>>
    %dma_wait3A_206 = arith.constant 0 : i32
    %dma_wait3A_207 = arith.constant 0 : i32
    %dma_wait3A_208 = tpu.memref_slice %arg6[%dma_wait3A_206, %dma_wait3A_207] : memref<144x64xf32, #tpu.memory_space<vmem_shared>> -> memref<144x64xf32, #tpu.memory_space<vmem_shared>>
    tpu.wait_indirect_dma semaphore(%arg8 : memref<!tpu.dma_semaphore, #tpu.memory_space<semaphore_mem>>) src(%dma_wait3A_208 : memref<144x64xf32, #tpu.memory_space<vmem_shared>>) dst(%dma_wait3A_202 : memref<50x64xf32, #tpu.memory_space<vmem>>)
    %add3A_209 = arith.constant 0 : i32
    %add3A_210 = arith.addi %mul3A_2, %add3A_209 : i32
    %dma_start3A_211 = arith.constant 0 : i32
    %dma_start3A_212 = arith.constant 0 : i32
    %dma_start3A_213 = arith.constant 0 : i32
    %dma_start3A_214 = arith.constant 0 : i32
    %dma_start3A_215 = tpu.memref_slice %arg7[%dma_start3A_211, %dma_start3A_212, %dma_start3A_213, %dma_start3A_214] : memref<2x8x50x64xf32, #tpu.memory_space<vmem>> -> memref<1x8x50x64xf32, #tpu.memory_space<vmem>>
    %dma_start3A_216 = tpu.memref_squeeze %dma_start3A_215 : memref<1x8x50x64xf32, #tpu.memory_space<vmem>> -> memref<8x50x64xf32, #tpu.memory_space<vmem>>
    %dma_start3A_217 = arith.constant 0 : i32
    %dma_start3A_218 = arith.constant 0 : i32
    %dma_start3A_219 = tpu.memref_slice %arg4[%add3A_210, %dma_start3A_217, %dma_start3A_218] : memref<16384x50x64xf32, #tpu.memory_space<hbm>> -> memref<8x50x64xf32, #tpu.memory_space<hbm>>
    %dma_start3A_220 = arith.constant 0 : i32
    %dma_start3A_221 = arith.constant 0 : i32
    %dma_start3A_222 = tpu.memref_slice %arg4[%add3A_210, %dma_start3A_220, %dma_start3A_221] : memref<16384x50x64xf32, #tpu.memory_space<hbm>> -> memref<8x50x64xf32, #tpu.memory_space<hbm>>
    %dma_start3A_223 = arith.constant 0 : i32
    %dma_start3A_224 = arith.constant 0 : i32
    %dma_start3A_225 = arith.constant 0 : i32
    %dma_start3A_226 = tpu.memref_slice %arg7[%dma_start3A_211, %dma_start3A_223, %dma_start3A_224, %dma_start3A_225] : memref<2x8x50x64xf32, #tpu.memory_space<vmem>> -> memref<1x8x50x64xf32, #tpu.memory_space<vmem>>
    %dma_start3A_227 = tpu.memref_squeeze %dma_start3A_226 : memref<1x8x50x64xf32, #tpu.memory_space<vmem>> -> memref<8x50x64xf32, #tpu.memory_space<vmem>>
    tpu.enqueue_dma source(%dma_start3A_227 : memref<8x50x64xf32, #tpu.memory_space<vmem>>) target(%dma_start3A_222 : memref<8x50x64xf32, #tpu.memory_space<hbm>>) target_semaphore(%arg9 : memref<!tpu.dma_semaphore, #tpu.memory_space<semaphore_mem>>)
    %dma_start3A_228 = arith.constant 8 : i32
    %dma_start3A_229 = arith.constant 1 : i32
    %dma_start3A_230 = arith.constant 0 : i32
    %dma_start3A_231 = arith.constant 0 : i32
    %dma_start3A_232 = arith.constant 0 : i32
    %dma_start3A_233 = tpu.memref_slice %arg7[%dma_start3A_229, %dma_start3A_230, %dma_start3A_231, %dma_start3A_232] : memref<2x8x50x64xf32, #tpu.memory_space<vmem>> -> memref<1x1x50x64xf32, #tpu.memory_space<vmem>>
    %dma_start3A_234 = tpu.memref_squeeze %dma_start3A_233 : memref<1x1x50x64xf32, #tpu.memory_space<vmem>> -> memref<50x64xf32, #tpu.memory_space<vmem>>
    %dma_start3A_235 = arith.constant 0 : i32
    %dma_start3A_236 = tpu.memref_slice %arg5[%dma_start3A_228, %dma_start3A_235] : memref<512x50xi32, #tpu.memory_space<vmem>> -> memref<1x50xi32, #tpu.memory_space<vmem>>
    %dma_start3A_237 = tpu.memref_squeeze %dma_start3A_236 : memref<1x50xi32, #tpu.memory_space<vmem>> -> memref<50xi32, #tpu.memory_space<vmem>>
    %dma_start3A_238 = arith.constant 0 : i32
    %dma_start3A_239 = arith.constant 0 : i32
    %dma_start3A_240 = tpu.memref_slice %arg6[%dma_start3A_238, %dma_start3A_239] : memref<144x64xf32, #tpu.memory_space<vmem_shared>> -> memref<144x64xf32, #tpu.memory_space<vmem_shared>>
    tpu.enqueue_indirect_dma source(%dma_start3A_240 : memref<144x64xf32, #tpu.memory_space<vmem_shared>>) target(%dma_start3A_234 : memref<50x64xf32, #tpu.memory_space<vmem>>) offsets(%dma_start3A_237 : memref<50xi32, #tpu.memory_space<vmem>>) semaphore(%arg8 : memref<!tpu.dma_semaphore, #tpu.memory_space<semaphore_mem>>)
    %dma_start3A_241 = arith.constant 9 : i32
    %dma_start3A_242 = arith.constant 1 : i32
    %dma_start3A_243 = arith.constant 1 : i32
    %dma_start3A_244 = arith.constant 0 : i32
    %dma_start3A_245 = arith.constant 0 : i32
    %dma_start3A_246 = tpu.memref_slice %arg7[%dma_start3A_242, %dma_start3A_243, %dma_start3A_244, %dma_start3A_245] : memref<2x8x50x64xf32, #tpu.memory_space<vmem>> -> memref<1x1x50x64xf32, #tpu.memory_space<vmem>>
    %dma_start3A_247 = tpu.memref_squeeze %dma_start3A_246 : memref<1x1x50x64xf32, #tpu.memory_space<vmem>> -> memref<50x64xf32, #tpu.memory_space<vmem>>
    %dma_start3A_248 = arith.constant 0 : i32
    %dma_start3A_249 = tpu.memref_slice %arg5[%dma_start3A_241, %dma_start3A_248] : memref<512x50xi32, #tpu.memory_space<vmem>> -> memref<1x50xi32, #tpu.memory_space<vmem>>
    %dma_start3A_250 = tpu.memref_squeeze %dma_start3A_249 : memref<1x50xi32, #tpu.memory_space<vmem>> -> memref<50xi32, #tpu.memory_space<vmem>>
    %dma_start3A_251 = arith.constant 0 : i32
    %dma_start3A_252 = arith.constant 0 : i32
    %dma_start3A_253 = tpu.memref_slice %arg6[%dma_start3A_251, %dma_start3A_252] : memref<144x64xf32, #tpu.memory_space<vmem_shared>> -> memref<144x64xf32, #tpu.memory_space<vmem_shared>>
    tpu.enqueue_indirect_dma source(%dma_start3A_253 : memref<144x64xf32, #tpu.memory_space<vmem_shared>>) target(%dma_start3A_247 : memref<50x64xf32, #tpu.memory_space<vmem>>) offsets(%dma_start3A_250 : memref<50xi32, #tpu.memory_space<vmem>>) semaphore(%arg8 : memref<!tpu.dma_semaphore, #tpu.memory_space<semaphore_mem>>)
    %dma_start3A_254 = arith.constant 10 : i32
    %dma_start3A_255 = arith.constant 1 : i32
    %dma_start3A_256 = arith.constant 2 : i32
    %dma_start3A_257 = arith.constant 0 : i32
    %dma_start3A_258 = arith.constant 0 : i32
    %dma_start3A_259 = tpu.memref_slice %arg7[%dma_start3A_255, %dma_start3A_256, %dma_start3A_257, %dma_start3A_258] : memref<2x8x50x64xf32, #tpu.memory_space<vmem>> -> memref<1x1x50x64xf32, #tpu.memory_space<vmem>>
    %dma_start3A_260 = tpu.memref_squeeze %dma_start3A_259 : memref<1x1x50x64xf32, #tpu.memory_space<vmem>> -> memref<50x64xf32, #tpu.memory_space<vmem>>
    %dma_start3A_261 = arith.constant 0 : i32
    %dma_start3A_262 = tpu.memref_slice %arg5[%dma_start3A_254, %dma_start3A_261] : memref<512x50xi32, #tpu.memory_space<vmem>> -> memref<1x50xi32, #tpu.memory_space<vmem>>
    %dma_start3A_263 = tpu.memref_squeeze %dma_start3A_262 : memref<1x50xi32, #tpu.memory_space<vmem>> -> memref<50xi32, #tpu.memory_space<vmem>>
    %dma_start3A_264 = arith.constant 0 : i32
    %dma_start3A_265 = arith.constant 0 : i32
    %dma_start3A_266 = tpu.memref_slice %arg6[%dma_start3A_264, %dma_start3A_265] : memref<144x64xf32, #tpu.memory_space<vmem_shared>> -> memref<144x64xf32, #tpu.memory_space<vmem_shared>>
    tpu.enqueue_indirect_dma source(%dma_start3A_266 : memref<144x64xf32, #tpu.memory_space<vmem_shared>>) target(%dma_start3A_260 : memref<50x64xf32, #tpu.memory_space<vmem>>) offsets(%dma_start3A_263 : memref<50xi32, #tpu.memory_space<vmem>>) semaphore(%arg8 : memref<!tpu.dma_semaphore, #tpu.memory_space<semaphore_mem>>)
    %dma_start3A_267 = arith.constant 11 : i32
    %dma_start3A_268 = arith.constant 1 : i32
    %dma_start3A_269 = arith.constant 3 : i32
    %dma_start3A_270 = arith.constant 0 : i32
    %dma_start3A_271 = arith.constant 0 : i32
    %dma_start3A_272 = tpu.memref_slice %arg7[%dma_start3A_268, %dma_start3A_269, %dma_start3A_270, %dma_start3A_271] : memref<2x8x50x64xf32, #tpu.memory_space<vmem>> -> memref<1x1x50x64xf32, #tpu.memory_space<vmem>>
    %dma_start3A_273 = tpu.memref_squeeze %dma_start3A_272 : memref<1x1x50x64xf32, #tpu.memory_space<vmem>> -> memref<50x64xf32, #tpu.memory_space<vmem>>
    %dma_start3A_274 = arith.constant 0 : i32
    %dma_start3A_275 = tpu.memref_slice %arg5[%dma_start3A_267, %dma_start3A_274] : memref<512x50xi32, #tpu.memory_space<vmem>> -> memref<1x50xi32, #tpu.memory_space<vmem>>
    %dma_start3A_276 = tpu.memref_squeeze %dma_start3A_275 : memref<1x50xi32, #tpu.memory_space<vmem>> -> memref<50xi32, #tpu.memory_space<vmem>>
    %dma_start3A_277 = arith.constant 0 : i32
    %dma_start3A_278 = arith.constant 0 : i32
    %dma_start3A_279 = tpu.memref_slice %arg6[%dma_start3A_277, %dma_start3A_278] : memref<144x64xf32, #tpu.memory_space<vmem_shared>> -> memref<144x64xf32, #tpu.memory_space<vmem_shared>>
    tpu.enqueue_indirect_dma source(%dma_start3A_279 : memref<144x64xf32, #tpu.memory_space<vmem_shared>>) target(%dma_start3A_273 : memref<50x64xf32, #tpu.memory_space<vmem>>) offsets(%dma_start3A_276 : memref<50xi32, #tpu.memory_space<vmem>>) semaphore(%arg8 : memref<!tpu.dma_semaphore, #tpu.memory_space<semaphore_mem>>)
    %dma_start3A_280 = arith.constant 12 : i32
    %dma_start3A_281 = arith.constant 1 : i32
    %dma_start3A_282 = arith.constant 4 : i32
    %dma_start3A_283 = arith.constant 0 : i32
    %dma_start3A_284 = arith.constant 0 : i32
    %dma_start3A_285 = tpu.memref_slice %arg7[%dma_start3A_281, %dma_start3A_282, %dma_start3A_283, %dma_start3A_284] : memref<2x8x50x64xf32, #tpu.memory_space<vmem>> -> memref<1x1x50x64xf32, #tpu.memory_space<vmem>>
    %dma_start3A_286 = tpu.memref_squeeze %dma_start3A_285 : memref<1x1x50x64xf32, #tpu.memory_space<vmem>> -> memref<50x64xf32, #tpu.memory_space<vmem>>
    %dma_start3A_287 = arith.constant 0 : i32
    %dma_start3A_288 = tpu.memref_slice %arg5[%dma_start3A_280, %dma_start3A_287] : memref<512x50xi32, #tpu.memory_space<vmem>> -> memref<1x50xi32, #tpu.memory_space<vmem>>
    %dma_start3A_289 = tpu.memref_squeeze %dma_start3A_288 : memref<1x50xi32, #tpu.memory_space<vmem>> -> memref<50xi32, #tpu.memory_space<vmem>>
    %dma_start3A_290 = arith.constant 0 : i32
    %dma_start3A_291 = arith.constant 0 : i32
    %dma_start3A_292 = tpu.memref_slice %arg6[%dma_start3A_290, %dma_start3A_291] : memref<144x64xf32, #tpu.memory_space<vmem_shared>> -> memref<144x64xf32, #tpu.memory_space<vmem_shared>>
    tpu.enqueue_indirect_dma source(%dma_start3A_292 : memref<144x64xf32, #tpu.memory_space<vmem_shared>>) target(%dma_start3A_286 : memref<50x64xf32, #tpu.memory_space<vmem>>) offsets(%dma_start3A_289 : memref<50xi32, #tpu.memory_space<vmem>>) semaphore(%arg8 : memref<!tpu.dma_semaphore, #tpu.memory_space<semaphore_mem>>)
    %dma_start3A_293 = arith.constant 13 : i32
    %dma_start3A_294 = arith.constant 1 : i32
    %dma_start3A_295 = arith.constant 5 : i32
    %dma_start3A_296 = arith.constant 0 : i32
    %dma_start3A_297 = arith.constant 0 : i32
    %dma_start3A_298 = tpu.memref_slice %arg7[%dma_start3A_294, %dma_start3A_295, %dma_start3A_296, %dma_start3A_297] : memref<2x8x50x64xf32, #tpu.memory_space<vmem>> -> memref<1x1x50x64xf32, #tpu.memory_space<vmem>>
    %dma_start3A_299 = tpu.memref_squeeze %dma_start3A_298 : memref<1x1x50x64xf32, #tpu.memory_space<vmem>> -> memref<50x64xf32, #tpu.memory_space<vmem>>
    %dma_start3A_300 = arith.constant 0 : i32
    %dma_start3A_301 = tpu.memref_slice %arg5[%dma_start3A_293, %dma_start3A_300] : memref<512x50xi32, #tpu.memory_space<vmem>> -> memref<1x50xi32, #tpu.memory_space<vmem>>
    %dma_start3A_302 = tpu.memref_squeeze %dma_start3A_301 : memref<1x50xi32, #tpu.memory_space<vmem>> -> memref<50xi32, #tpu.memory_space<vmem>>
    %dma_start3A_303 = arith.constant 0 : i32
    %dma_start3A_304 = arith.constant 0 : i32
    %dma_start3A_305 = tpu.memref_slice %arg6[%dma_start3A_303, %dma_start3A_304] : memref<144x64xf32, #tpu.memory_space<vmem_shared>> -> memref<144x64xf32, #tpu.memory_space<vmem_shared>>
    tpu.enqueue_indirect_dma source(%dma_start3A_305 : memref<144x64xf32, #tpu.memory_space<vmem_shared>>) target(%dma_start3A_299 : memref<50x64xf32, #tpu.memory_space<vmem>>) offsets(%dma_start3A_302 : memref<50xi32, #tpu.memory_space<vmem>>) semaphore(%arg8 : memref<!tpu.dma_semaphore, #tpu.memory_space<semaphore_mem>>)
    %dma_start3A_306 = arith.constant 14 : i32
    %dma_start3A_307 = arith.constant 1 : i32
    %dma_start3A_308 = arith.constant 6 : i32
    %dma_start3A_309 = arith.constant 0 : i32
    %dma_start3A_310 = arith.constant 0 : i32
    %dma_start3A_311 = tpu.memref_slice %arg7[%dma_start3A_307, %dma_start3A_308, %dma_start3A_309, %dma_start3A_310] : memref<2x8x50x64xf32, #tpu.memory_space<vmem>> -> memref<1x1x50x64xf32, #tpu.memory_space<vmem>>
    %dma_start3A_312 = tpu.memref_squeeze %dma_start3A_311 : memref<1x1x50x64xf32, #tpu.memory_space<vmem>> -> memref<50x64xf32, #tpu.memory_space<vmem>>
    %dma_start3A_313 = arith.constant 0 : i32
    %dma_start3A_314 = tpu.memref_slice %arg5[%dma_start3A_306, %dma_start3A_313] : memref<512x50xi32, #tpu.memory_space<vmem>> -> memref<1x50xi32, #tpu.memory_space<vmem>>
    %dma_start3A_315 = tpu.memref_squeeze %dma_start3A_314 : memref<1x50xi32, #tpu.memory_space<vmem>> -> memref<50xi32, #tpu.memory_space<vmem>>
    %dma_start3A_316 = arith.constant 0 : i32
    %dma_start3A_317 = arith.constant 0 : i32
    %dma_start3A_318 = tpu.memref_slice %arg6[%dma_start3A_316, %dma_start3A_317] : memref<144x64xf32, #tpu.memory_space<vmem_shared>> -> memref<144x64xf32, #tpu.memory_space<vmem_shared>>
    tpu.enqueue_indirect_dma source(%dma_start3A_318 : memref<144x64xf32, #tpu.memory_space<vmem_shared>>) target(%dma_start3A_312 : memref<50x64xf32, #tpu.memory_space<vmem>>) offsets(%dma_start3A_315 : memref<50xi32, #tpu.memory_space<vmem>>) semaphore(%arg8 : memref<!tpu.dma_semaphore, #tpu.memory_space<semaphore_mem>>)
    %dma_start3A_319 = arith.constant 15 : i32
    %dma_start3A_320 = arith.constant 1 : i32
    %dma_start3A_321 = arith.constant 7 : i32
    %dma_start3A_322 = arith.constant 0 : i32
    %dma_start3A_323 = arith.constant 0 : i32
    %dma_start3A_324 = tpu.memref_slice %arg7[%dma_start3A_320, %dma_start3A_321, %dma_start3A_322, %dma_start3A_323] : memref<2x8x50x64xf32, #tpu.memory_space<vmem>> -> memref<1x1x50x64xf32, #tpu.memory_space<vmem>>
    %dma_start3A_325 = tpu.memref_squeeze %dma_start3A_324 : memref<1x1x50x64xf32, #tpu.memory_space<vmem>> -> memref<50x64xf32, #tpu.memory_space<vmem>>
    %dma_start3A_326 = arith.constant 0 : i32
    %dma_start3A_327 = tpu.memref_slice %arg5[%dma_start3A_319, %dma_start3A_326] : memref<512x50xi32, #tpu.memory_space<vmem>> -> memref<1x50xi32, #tpu.memory_space<vmem>>
    %dma_start3A_328 = tpu.memref_squeeze %dma_start3A_327 : memref<1x50xi32, #tpu.memory_space<vmem>> -> memref<50xi32, #tpu.memory_space<vmem>>
    %dma_start3A_329 = arith.constant 0 : i32
    %dma_start3A_330 = arith.constant 0 : i32
    %dma_start3A_331 = tpu.memref_slice %arg6[%dma_start3A_329, %dma_start3A_330] : memref<144x64xf32, #tpu.memory_space<vmem_shared>> -> memref<144x64xf32, #tpu.memory_space<vmem_shared>>
    tpu.enqueue_indirect_dma source(%dma_start3A_331 : memref<144x64xf32, #tpu.memory_space<vmem_shared>>) target(%dma_start3A_325 : memref<50x64xf32, #tpu.memory_space<vmem>>) offsets(%dma_start3A_328 : memref<50xi32, #tpu.memory_space<vmem>>) semaphore(%arg8 : memref<!tpu.dma_semaphore, #tpu.memory_space<semaphore_mem>>)
    %dma_wait3A_332 = arith.constant 8 : i32
    %dma_wait3A_333 = arith.constant 1 : i32
    %dma_wait3A_334 = arith.constant 0 : i32
    %dma_wait3A_335 = arith.constant 0 : i32
    %dma_wait3A_336 = arith.constant 0 : i32
    %dma_wait3A_337 = tpu.memref_slice %arg7[%dma_wait3A_333, %dma_wait3A_334, %dma_wait3A_335, %dma_wait3A_336] : memref<2x8x50x64xf32, #tpu.memory_space<vmem>> -> memref<1x1x50x64xf32, #tpu.memory_space<vmem>>
    %dma_wait3A_338 = tpu.memref_squeeze %dma_wait3A_337 : memref<1x1x50x64xf32, #tpu.memory_space<vmem>> -> memref<50x64xf32, #tpu.memory_space<vmem>>
    %dma_wait3A_339 = arith.constant 0 : i32
    %dma_wait3A_340 = tpu.memref_slice %arg5[%dma_wait3A_332, %dma_wait3A_339] : memref<512x50xi32, #tpu.memory_space<vmem>> -> memref<1x50xi32, #tpu.memory_space<vmem>>
    %dma_wait3A_341 = tpu.memref_squeeze %dma_wait3A_340 : memref<1x50xi32, #tpu.memory_space<vmem>> -> memref<50xi32, #tpu.memory_space<vmem>>
    %dma_wait3A_342 = arith.constant 0 : i32
    %dma_wait3A_343 = arith.constant 0 : i32
    %dma_wait3A_344 = tpu.memref_slice %arg6[%dma_wait3A_342, %dma_wait3A_343] : memref<144x64xf32, #tpu.memory_space<vmem_shared>> -> memref<144x64xf32, #tpu.memory_space<vmem_shared>>
    tpu.wait_indirect_dma semaphore(%arg8 : memref<!tpu.dma_semaphore, #tpu.memory_space<semaphore_mem>>) src(%dma_wait3A_344 : memref<144x64xf32, #tpu.memory_space<vmem_shared>>) dst(%dma_wait3A_338 : memref<50x64xf32, #tpu.memory_space<vmem>>)
    %dma_wait3A_345 = arith.constant 9 : i32
    %dma_wait3A_346 = arith.constant 1 : i32
    %dma_wait3A_347 = arith.constant 1 : i32
    %dma_wait3A_348 = arith.constant 0 : i32
    %dma_wait3A_349 = arith.constant 0 : i32
    %dma_wait3A_350 = tpu.memref_slice %arg7[%dma_wait3A_346, %dma_wait3A_347, %dma_wait3A_348, %dma_wait3A_349] : memref<2x8x50x64xf32, #tpu.memory_space<vmem>> -> memref<1x1x50x64xf32, #tpu.memory_space<vmem>>
    %dma_wait3A_351 = tpu.memref_squeeze %dma_wait3A_350 : memref<1x1x50x64xf32, #tpu.memory_space<vmem>> -> memref<50x64xf32, #tpu.memory_space<vmem>>
    %dma_wait3A_352 = arith.constant 0 : i32
    %dma_wait3A_353 = tpu.memref_slice %arg5[%dma_wait3A_345, %dma_wait3A_352] : memref<512x50xi32, #tpu.memory_space<vmem>> -> memref<1x50xi32, #tpu.memory_space<vmem>>
    %dma_wait3A_354 = tpu.memref_squeeze %dma_wait3A_353 : memref<1x50xi32, #tpu.memory_space<vmem>> -> memref<50xi32, #tpu.memory_space<vmem>>
    %dma_wait3A_355 = arith.constant 0 : i32
    %dma_wait3A_356 = arith.constant 0 : i32
    %dma_wait3A_357 = tpu.memref_slice %arg6[%dma_wait3A_355, %dma_wait3A_356] : memref<144x64xf32, #tpu.memory_space<vmem_shared>> -> memref<144x64xf32, #tpu.memory_space<vmem_shared>>
    tpu.wait_indirect_dma semaphore(%arg8 : memref<!tpu.dma_semaphore, #tpu.memory_space<semaphore_mem>>) src(%dma_wait3A_357 : memref<144x64xf32, #tpu.memory_space<vmem_shared>>) dst(%dma_wait3A_351 : memref<50x64xf32, #tpu.memory_space<vmem>>)
    %dma_wait3A_358 = arith.constant 10 : i32
    %dma_wait3A_359 = arith.constant 1 : i32
    %dma_wait3A_360 = arith.constant 2 : i32
    %dma_wait3A_361 = arith.constant 0 : i32
    %dma_wait3A_362 = arith.constant 0 : i32
    %dma_wait3A_363 = tpu.memref_slice %arg7[%dma_wait3A_359, %dma_wait3A_360, %dma_wait3A_361, %dma_wait3A_362] : memref<2x8x50x64xf32, #tpu.memory_space<vmem>> -> memref<1x1x50x64xf32, #tpu.memory_space<vmem>>
    %dma_wait3A_364 = tpu.memref_squeeze %dma_wait3A_363 : memref<1x1x50x64xf32, #tpu.memory_space<vmem>> -> memref<50x64xf32, #tpu.memory_space<vmem>>
    %dma_wait3A_365 = arith.constant 0 : i32
    %dma_wait3A_366 = tpu.memref_slice %arg5[%dma_wait3A_358, %dma_wait3A_365] : memref<512x50xi32, #tpu.memory_space<vmem>> -> memref<1x50xi32, #tpu.memory_space<vmem>>
    %dma_wait3A_367 = tpu.memref_squeeze %dma_wait3A_366 : memref<1x50xi32, #tpu.memory_space<vmem>> -> memref<50xi32, #tpu.memory_space<vmem>>
    %dma_wait3A_368 = arith.constant 0 : i32
    %dma_wait3A_369 = arith.constant 0 : i32
    %dma_wait3A_370 = tpu.memref_slice %arg6[%dma_wait3A_368, %dma_wait3A_369] : memref<144x64xf32, #tpu.memory_space<vmem_shared>> -> memref<144x64xf32, #tpu.memory_space<vmem_shared>>
    tpu.wait_indirect_dma semaphore(%arg8 : memref<!tpu.dma_semaphore, #tpu.memory_space<semaphore_mem>>) src(%dma_wait3A_370 : memref<144x64xf32, #tpu.memory_space<vmem_shared>>) dst(%dma_wait3A_364 : memref<50x64xf32, #tpu.memory_space<vmem>>)
    %dma_wait3A_371 = arith.constant 11 : i32
    %dma_wait3A_372 = arith.constant 1 : i32
    %dma_wait3A_373 = arith.constant 3 : i32
    %dma_wait3A_374 = arith.constant 0 : i32
    %dma_wait3A_375 = arith.constant 0 : i32
    %dma_wait3A_376 = tpu.memref_slice %arg7[%dma_wait3A_372, %dma_wait3A_373, %dma_wait3A_374, %dma_wait3A_375] : memref<2x8x50x64xf32, #tpu.memory_space<vmem>> -> memref<1x1x50x64xf32, #tpu.memory_space<vmem>>
    %dma_wait3A_377 = tpu.memref_squeeze %dma_wait3A_376 : memref<1x1x50x64xf32, #tpu.memory_space<vmem>> -> memref<50x64xf32, #tpu.memory_space<vmem>>
    %dma_wait3A_378 = arith.constant 0 : i32
    %dma_wait3A_379 = tpu.memref_slice %arg5[%dma_wait3A_371, %dma_wait3A_378] : memref<512x50xi32, #tpu.memory_space<vmem>> -> memref<1x50xi32, #tpu.memory_space<vmem>>
    %dma_wait3A_380 = tpu.memref_squeeze %dma_wait3A_379 : memref<1x50xi32, #tpu.memory_space<vmem>> -> memref<50xi32, #tpu.memory_space<vmem>>
    %dma_wait3A_381 = arith.constant 0 : i32
    %dma_wait3A_382 = arith.constant 0 : i32
    %dma_wait3A_383 = tpu.memref_slice %arg6[%dma_wait3A_381, %dma_wait3A_382] : memref<144x64xf32, #tpu.memory_space<vmem_shared>> -> memref<144x64xf32, #tpu.memory_space<vmem_shared>>
    tpu.wait_indirect_dma semaphore(%arg8 : memref<!tpu.dma_semaphore, #tpu.memory_space<semaphore_mem>>) src(%dma_wait3A_383 : memref<144x64xf32, #tpu.memory_space<vmem_shared>>) dst(%dma_wait3A_377 : memref<50x64xf32, #tpu.memory_space<vmem>>)
    %dma_wait3A_384 = arith.constant 12 : i32
    %dma_wait3A_385 = arith.constant 1 : i32
    %dma_wait3A_386 = arith.constant 4 : i32
    %dma_wait3A_387 = arith.constant 0 : i32
    %dma_wait3A_388 = arith.constant 0 : i32
    %dma_wait3A_389 = tpu.memref_slice %arg7[%dma_wait3A_385, %dma_wait3A_386, %dma_wait3A_387, %dma_wait3A_388] : memref<2x8x50x64xf32, #tpu.memory_space<vmem>> -> memref<1x1x50x64xf32, #tpu.memory_space<vmem>>
    %dma_wait3A_390 = tpu.memref_squeeze %dma_wait3A_389 : memref<1x1x50x64xf32, #tpu.memory_space<vmem>> -> memref<50x64xf32, #tpu.memory_space<vmem>>
    %dma_wait3A_391 = arith.constant 0 : i32
    %dma_wait3A_392 = tpu.memref_slice %arg5[%dma_wait3A_384, %dma_wait3A_391] : memref<512x50xi32, #tpu.memory_space<vmem>> -> memref<1x50xi32, #tpu.memory_space<vmem>>
    %dma_wait3A_393 = tpu.memref_squeeze %dma_wait3A_392 : memref<1x50xi32, #tpu.memory_space<vmem>> -> memref<50xi32, #tpu.memory_space<vmem>>
    %dma_wait3A_394 = arith.constant 0 : i32
    %dma_wait3A_395 = arith.constant 0 : i32
    %dma_wait3A_396 = tpu.memref_slice %arg6[%dma_wait3A_394, %dma_wait3A_395] : memref<144x64xf32, #tpu.memory_space<vmem_shared>> -> memref<144x64xf32, #tpu.memory_space<vmem_shared>>
    tpu.wait_indirect_dma semaphore(%arg8 : memref<!tpu.dma_semaphore, #tpu.memory_space<semaphore_mem>>) src(%dma_wait3A_396 : memref<144x64xf32, #tpu.memory_space<vmem_shared>>) dst(%dma_wait3A_390 : memref<50x64xf32, #tpu.memory_space<vmem>>)
    %dma_wait3A_397 = arith.constant 13 : i32
    %dma_wait3A_398 = arith.constant 1 : i32
    %dma_wait3A_399 = arith.constant 5 : i32
    %dma_wait3A_400 = arith.constant 0 : i32
    %dma_wait3A_401 = arith.constant 0 : i32
    %dma_wait3A_402 = tpu.memref_slice %arg7[%dma_wait3A_398, %dma_wait3A_399, %dma_wait3A_400, %dma_wait3A_401] : memref<2x8x50x64xf32, #tpu.memory_space<vmem>> -> memref<1x1x50x64xf32, #tpu.memory_space<vmem>>
    %dma_wait3A_403 = tpu.memref_squeeze %dma_wait3A_402 : memref<1x1x50x64xf32, #tpu.memory_space<vmem>> -> memref<50x64xf32, #tpu.memory_space<vmem>>
    %dma_wait3A_404 = arith.constant 0 : i32
    %dma_wait3A_405 = tpu.memref_slice %arg5[%dma_wait3A_397, %dma_wait3A_404] : memref<512x50xi32, #tpu.memory_space<vmem>> -> memref<1x50xi32, #tpu.memory_space<vmem>>
    %dma_wait3A_406 = tpu.memref_squeeze %dma_wait3A_405 : memref<1x50xi32, #tpu.memory_space<vmem>> -> memref<50xi32, #tpu.memory_space<vmem>>
    %dma_wait3A_407 = arith.constant 0 : i32
    %dma_wait3A_408 = arith.constant 0 : i32
    %dma_wait3A_409 = tpu.memref_slice %arg6[%dma_wait3A_407, %dma_wait3A_408] : memref<144x64xf32, #tpu.memory_space<vmem_shared>> -> memref<144x64xf32, #tpu.memory_space<vmem_shared>>
    tpu.wait_indirect_dma semaphore(%arg8 : memref<!tpu.dma_semaphore, #tpu.memory_space<semaphore_mem>>) src(%dma_wait3A_409 : memref<144x64xf32, #tpu.memory_space<vmem_shared>>) dst(%dma_wait3A_403 : memref<50x64xf32, #tpu.memory_space<vmem>>)
    %dma_wait3A_410 = arith.constant 14 : i32
    %dma_wait3A_411 = arith.constant 1 : i32
    %dma_wait3A_412 = arith.constant 6 : i32
    %dma_wait3A_413 = arith.constant 0 : i32
    %dma_wait3A_414 = arith.constant 0 : i32
    %dma_wait3A_415 = tpu.memref_slice %arg7[%dma_wait3A_411, %dma_wait3A_412, %dma_wait3A_413, %dma_wait3A_414] : memref<2x8x50x64xf32, #tpu.memory_space<vmem>> -> memref<1x1x50x64xf32, #tpu.memory_space<vmem>>
    %dma_wait3A_416 = tpu.memref_squeeze %dma_wait3A_415 : memref<1x1x50x64xf32, #tpu.memory_space<vmem>> -> memref<50x64xf32, #tpu.memory_space<vmem>>
    %dma_wait3A_417 = arith.constant 0 : i32
    %dma_wait3A_418 = tpu.memref_slice %arg5[%dma_wait3A_410, %dma_wait3A_417] : memref<512x50xi32, #tpu.memory_space<vmem>> -> memref<1x50xi32, #tpu.memory_space<vmem>>
    %dma_wait3A_419 = tpu.memref_squeeze %dma_wait3A_418 : memref<1x50xi32, #tpu.memory_space<vmem>> -> memref<50xi32, #tpu.memory_space<vmem>>
    %dma_wait3A_420 = arith.constant 0 : i32
    %dma_wait3A_421 = arith.constant 0 : i32
    %dma_wait3A_422 = tpu.memref_slice %arg6[%dma_wait3A_420, %dma_wait3A_421] : memref<144x64xf32, #tpu.memory_space<vmem_shared>> -> memref<144x64xf32, #tpu.memory_space<vmem_shared>>
    tpu.wait_indirect_dma semaphore(%arg8 : memref<!tpu.dma_semaphore, #tpu.memory_space<semaphore_mem>>) src(%dma_wait3A_422 : memref<144x64xf32, #tpu.memory_space<vmem_shared>>) dst(%dma_wait3A_416 : memref<50x64xf32, #tpu.memory_space<vmem>>)
    %dma_wait3A_423 = arith.constant 15 : i32
    %dma_wait3A_424 = arith.constant 1 : i32
    %dma_wait3A_425 = arith.constant 7 : i32
    %dma_wait3A_426 = arith.constant 0 : i32
    %dma_wait3A_427 = arith.constant 0 : i32
    %dma_wait3A_428 = tpu.memref_slice %arg7[%dma_wait3A_424, %dma_wait3A_425, %dma_wait3A_426, %dma_wait3A_427] : memref<2x8x50x64xf32, #tpu.memory_space<vmem>> -> memref<1x1x50x64xf32, #tpu.memory_space<vmem>>
    %dma_wait3A_429 = tpu.memref_squeeze %dma_wait3A_428 : memref<1x1x50x64xf32, #tpu.memory_space<vmem>> -> memref<50x64xf32, #tpu.memory_space<vmem>>
    %dma_wait3A_430 = arith.constant 0 : i32
    %dma_wait3A_431 = tpu.memref_slice %arg5[%dma_wait3A_423, %dma_wait3A_430] : memref<512x50xi32, #tpu.memory_space<vmem>> -> memref<1x50xi32, #tpu.memory_space<vmem>>
    %dma_wait3A_432 = tpu.memref_squeeze %dma_wait3A_431 : memref<1x50xi32, #tpu.memory_space<vmem>> -> memref<50xi32, #tpu.memory_space<vmem>>
    %dma_wait3A_433 = arith.constant 0 : i32
    %dma_wait3A_434 = arith.constant 0 : i32
    %dma_wait3A_435 = tpu.memref_slice %arg6[%dma_wait3A_433, %dma_wait3A_434] : memref<144x64xf32, #tpu.memory_space<vmem_shared>> -> memref<144x64xf32, #tpu.memory_space<vmem_shared>>
    tpu.wait_indirect_dma semaphore(%arg8 : memref<!tpu.dma_semaphore, #tpu.memory_space<semaphore_mem>>) src(%dma_wait3A_435 : memref<144x64xf32, #tpu.memory_space<vmem_shared>>) dst(%dma_wait3A_429 : memref<50x64xf32, #tpu.memory_space<vmem>>)
    %add3A_436 = arith.constant 8 : i32
    %add3A_437 = arith.addi %mul3A_2, %add3A_436 : i32
    %dma_start3A_438 = arith.constant 1 : i32
    %dma_start3A_439 = arith.constant 0 : i32
    %dma_start3A_440 = arith.constant 0 : i32
    %dma_start3A_441 = arith.constant 0 : i32
    %dma_start3A_442 = tpu.memref_slice %arg7[%dma_start3A_438, %dma_start3A_439, %dma_start3A_440, %dma_start3A_441] : memref<2x8x50x64xf32, #tpu.memory_space<vmem>> -> memref<1x8x50x64xf32, #tpu.memory_space<vmem>>
    %dma_start3A_443 = tpu.memref_squeeze %dma_start3A_442 : memref<1x8x50x64xf32, #tpu.memory_space<vmem>> -> memref<8x50x64xf32, #tpu.memory_space<vmem>>
    %dma_start3A_444 = arith.constant 0 : i32
    %dma_start3A_445 = arith.constant 0 : i32
    %dma_start3A_446 = tpu.memref_slice %arg4[%add3A_437, %dma_start3A_444, %dma_start3A_445] : memref<16384x50x64xf32, #tpu.memory_space<hbm>> -> memref<8x50x64xf32, #tpu.memory_space<hbm>>
    %dma_start3A_447 = arith.constant 0 : i32
    %dma_start3A_448 = arith.constant 0 : i32
    %dma_start3A_449 = tpu.memref_slice %arg4[%add3A_437, %dma_start3A_447, %dma_start3A_448] : memref<16384x50x64xf32, #tpu.memory_space<hbm>> -> memref<8x50x64xf32, #tpu.memory_space<hbm>>
    %dma_start3A_450 = arith.constant 0 : i32
    %dma_start3A_451 = arith.constant 0 : i32
    %dma_start3A_452 = arith.constant 0 : i32
    %dma_start3A_453 = tpu.memref_slice %arg7[%dma_start3A_438, %dma_start3A_450, %dma_start3A_451, %dma_start3A_452] : memref<2x8x50x64xf32, #tpu.memory_space<vmem>> -> memref<1x8x50x64xf32, #tpu.memory_space<vmem>>
    %dma_start3A_454 = tpu.memref_squeeze %dma_start3A_453 : memref<1x8x50x64xf32, #tpu.memory_space<vmem>> -> memref<8x50x64xf32, #tpu.memory_space<vmem>>
    tpu.enqueue_dma source(%dma_start3A_454 : memref<8x50x64xf32, #tpu.memory_space<vmem>>) target(%dma_start3A_449 : memref<8x50x64xf32, #tpu.memory_space<hbm>>) target_semaphore(%arg10 : memref<!tpu.dma_semaphore, #tpu.memory_space<semaphore_mem>>)
    %scan3A = arith.constant 0 : i32
    %scan3A_455 = arith.constant 1 : i32
    %scan3A_456 = arith.constant 31 : i32
    %scan3A_457 = arith.addi %scan3A_455, %scan3A_456 : i32
    %scan3A_458 = arith.constant 1 : i32
    scf.for %scan3A_494 = %scan3A_455 to %scan3A_457 step %scan3A_458  : i32 {
      %mul3A_495 = arith.constant 2 : i32
      %mul3A_496 = arith.muli %mul3A_495, %scan3A_494 : i32
      %add3A_497 = arith.constant 0 : i32
      %add3A_498 = arith.addi %mul3A_496, %add3A_497 : i32
      %dma_wait3A_499 = arith.constant 0 : i32
      %dma_wait3A_500 = arith.constant 0 : i32
      %dma_wait3A_501 = arith.constant 0 : i32
      %dma_wait3A_502 = arith.constant 0 : i32
      %dma_wait3A_503 = tpu.memref_slice %arg7[%dma_wait3A_499, %dma_wait3A_500, %dma_wait3A_501, %dma_wait3A_502] : memref<2x8x50x64xf32, #tpu.memory_space<vmem>> -> memref<1x8x50x64xf32, #tpu.memory_space<vmem>>
      %dma_wait3A_504 = tpu.memref_squeeze %dma_wait3A_503 : memref<1x8x50x64xf32, #tpu.memory_space<vmem>> -> memref<8x50x64xf32, #tpu.memory_space<vmem>>
      %dma_wait3A_505 = arith.constant 0 : i32
      %dma_wait3A_506 = arith.constant 0 : i32
      %dma_wait3A_507 = tpu.memref_slice %arg4[%mul3A_2, %dma_wait3A_505, %dma_wait3A_506] : memref<16384x50x64xf32, #tpu.memory_space<hbm>> -> memref<8x50x64xf32, #tpu.memory_space<hbm>>
      %dma_wait3A_508 = arith.constant 0 : i32
      %dma_wait3A_509 = arith.constant 0 : i32
      %dma_wait3A_510 = tpu.memref_slice %arg4[%mul3A_2, %dma_wait3A_508, %dma_wait3A_509] : memref<16384x50x64xf32, #tpu.memory_space<hbm>> -> memref<8x50x64xf32, #tpu.memory_space<hbm>>
      %dma_wait3A_511 = arith.constant 0 : i32
      %dma_wait3A_512 = arith.constant 0 : i32
      %dma_wait3A_513 = arith.constant 0 : i32
      %dma_wait3A_514 = tpu.memref_slice %arg7[%dma_wait3A_499, %dma_wait3A_511, %dma_wait3A_512, %dma_wait3A_513] : memref<2x8x50x64xf32, #tpu.memory_space<vmem>> -> memref<1x8x50x64xf32, #tpu.memory_space<vmem>>
      %dma_wait3A_515 = tpu.memref_squeeze %dma_wait3A_514 : memref<1x8x50x64xf32, #tpu.memory_space<vmem>> -> memref<8x50x64xf32, #tpu.memory_space<vmem>>
      tpu.wait_dma2 semaphore(%arg9 : memref<!tpu.dma_semaphore, #tpu.memory_space<semaphore_mem>>) src(%dma_wait3A_515 : memref<8x50x64xf32, #tpu.memory_space<vmem>>) dst(%dma_wait3A_510 : memref<8x50x64xf32, #tpu.memory_space<hbm>>)
      %mul3A_516 = arith.constant 8 : i32
      %mul3A_517 = arith.muli %add3A_498, %mul3A_516 : i32
      %add3A_518 = arith.constant 0 : i32
      %add3A_519 = arith.addi %mul3A_517, %add3A_518 : i32
      %dma_start3A_520 = arith.constant 0 : i32
      %dma_start3A_521 = arith.constant 0 : i32
      %dma_start3A_522 = arith.constant 0 : i32
      %dma_start3A_523 = arith.constant 0 : i32
      %dma_start3A_524 = tpu.memref_slice %arg7[%dma_start3A_520, %dma_start3A_521, %dma_start3A_522, %dma_start3A_523] : memref<2x8x50x64xf32, #tpu.memory_space<vmem>> -> memref<1x1x50x64xf32, #tpu.memory_space<vmem>>
      %dma_start3A_525 = tpu.memref_squeeze %dma_start3A_524 : memref<1x1x50x64xf32, #tpu.memory_space<vmem>> -> memref<50x64xf32, #tpu.memory_space<vmem>>
      %dma_start3A_526 = arith.constant 0 : i32
      %dma_start3A_527 = tpu.memref_slice %arg5[%add3A_519, %dma_start3A_526] : memref<512x50xi32, #tpu.memory_space<vmem>> -> memref<1x50xi32, #tpu.memory_space<vmem>>
      %dma_start3A_528 = tpu.memref_squeeze %dma_start3A_527 : memref<1x50xi32, #tpu.memory_space<vmem>> -> memref<50xi32, #tpu.memory_space<vmem>>
      %dma_start3A_529 = arith.constant 0 : i32
      %dma_start3A_530 = arith.constant 0 : i32
      %dma_start3A_531 = tpu.memref_slice %arg6[%dma_start3A_529, %dma_start3A_530] : memref<144x64xf32, #tpu.memory_space<vmem_shared>> -> memref<144x64xf32, #tpu.memory_space<vmem_shared>>
      tpu.enqueue_indirect_dma source(%dma_start3A_531 : memref<144x64xf32, #tpu.memory_space<vmem_shared>>) target(%dma_start3A_525 : memref<50x64xf32, #tpu.memory_space<vmem>>) offsets(%dma_start3A_528 : memref<50xi32, #tpu.memory_space<vmem>>) semaphore(%arg8 : memref<!tpu.dma_semaphore, #tpu.memory_space<semaphore_mem>>)
      %mul3A_532 = arith.constant 8 : i32
      %mul3A_533 = arith.muli %add3A_498, %mul3A_532 : i32
      %add3A_534 = arith.constant 1 : i32
      %add3A_535 = arith.addi %mul3A_533, %add3A_534 : i32
      %dma_start3A_536 = arith.constant 0 : i32
      %dma_start3A_537 = arith.constant 1 : i32
      %dma_start3A_538 = arith.constant 0 : i32
      %dma_start3A_539 = arith.constant 0 : i32
      %dma_start3A_540 = tpu.memref_slice %arg7[%dma_start3A_536, %dma_start3A_537, %dma_start3A_538, %dma_start3A_539] : memref<2x8x50x64xf32, #tpu.memory_space<vmem>> -> memref<1x1x50x64xf32, #tpu.memory_space<vmem>>
      %dma_start3A_541 = tpu.memref_squeeze %dma_start3A_540 : memref<1x1x50x64xf32, #tpu.memory_space<vmem>> -> memref<50x64xf32, #tpu.memory_space<vmem>>
      %dma_start3A_542 = arith.constant 0 : i32
      %dma_start3A_543 = tpu.memref_slice %arg5[%add3A_535, %dma_start3A_542] : memref<512x50xi32, #tpu.memory_space<vmem>> -> memref<1x50xi32, #tpu.memory_space<vmem>>
      %dma_start3A_544 = tpu.memref_squeeze %dma_start3A_543 : memref<1x50xi32, #tpu.memory_space<vmem>> -> memref<50xi32, #tpu.memory_space<vmem>>
      %dma_start3A_545 = arith.constant 0 : i32
      %dma_start3A_546 = arith.constant 0 : i32
      %dma_start3A_547 = tpu.memref_slice %arg6[%dma_start3A_545, %dma_start3A_546] : memref<144x64xf32, #tpu.memory_space<vmem_shared>> -> memref<144x64xf32, #tpu.memory_space<vmem_shared>>
      tpu.enqueue_indirect_dma source(%dma_start3A_547 : memref<144x64xf32, #tpu.memory_space<vmem_shared>>) target(%dma_start3A_541 : memref<50x64xf32, #tpu.memory_space<vmem>>) offsets(%dma_start3A_544 : memref<50xi32, #tpu.memory_space<vmem>>) semaphore(%arg8 : memref<!tpu.dma_semaphore, #tpu.memory_space<semaphore_mem>>)
      %mul3A_548 = arith.constant 8 : i32
      %mul3A_549 = arith.muli %add3A_498, %mul3A_548 : i32
      %add3A_550 = arith.constant 2 : i32
      %add3A_551 = arith.addi %mul3A_549, %add3A_550 : i32
      %dma_start3A_552 = arith.constant 0 : i32
      %dma_start3A_553 = arith.constant 2 : i32
      %dma_start3A_554 = arith.constant 0 : i32
      %dma_start3A_555 = arith.constant 0 : i32
      %dma_start3A_556 = tpu.memref_slice %arg7[%dma_start3A_552, %dma_start3A_553, %dma_start3A_554, %dma_start3A_555] : memref<2x8x50x64xf32, #tpu.memory_space<vmem>> -> memref<1x1x50x64xf32, #tpu.memory_space<vmem>>
      %dma_start3A_557 = tpu.memref_squeeze %dma_start3A_556 : memref<1x1x50x64xf32, #tpu.memory_space<vmem>> -> memref<50x64xf32, #tpu.memory_space<vmem>>
      %dma_start3A_558 = arith.constant 0 : i32
      %dma_start3A_559 = tpu.memref_slice %arg5[%add3A_551, %dma_start3A_558] : memref<512x50xi32, #tpu.memory_space<vmem>> -> memref<1x50xi32, #tpu.memory_space<vmem>>
      %dma_start3A_560 = tpu.memref_squeeze %dma_start3A_559 : memref<1x50xi32, #tpu.memory_space<vmem>> -> memref<50xi32, #tpu.memory_space<vmem>>
      %dma_start3A_561 = arith.constant 0 : i32
      %dma_start3A_562 = arith.constant 0 : i32
      %dma_start3A_563 = tpu.memref_slice %arg6[%dma_start3A_561, %dma_start3A_562] : memref<144x64xf32, #tpu.memory_space<vmem_shared>> -> memref<144x64xf32, #tpu.memory_space<vmem_shared>>
      tpu.enqueue_indirect_dma source(%dma_start3A_563 : memref<144x64xf32, #tpu.memory_space<vmem_shared>>) target(%dma_start3A_557 : memref<50x64xf32, #tpu.memory_space<vmem>>) offsets(%dma_start3A_560 : memref<50xi32, #tpu.memory_space<vmem>>) semaphore(%arg8 : memref<!tpu.dma_semaphore, #tpu.memory_space<semaphore_mem>>)
      %mul3A_564 = arith.constant 8 : i32
      %mul3A_565 = arith.muli %add3A_498, %mul3A_564 : i32
      %add3A_566 = arith.constant 3 : i32
      %add3A_567 = arith.addi %mul3A_565, %add3A_566 : i32
      %dma_start3A_568 = arith.constant 0 : i32
      %dma_start3A_569 = arith.constant 3 : i32
      %dma_start3A_570 = arith.constant 0 : i32
      %dma_start3A_571 = arith.constant 0 : i32
      %dma_start3A_572 = tpu.memref_slice %arg7[%dma_start3A_568, %dma_start3A_569, %dma_start3A_570, %dma_start3A_571] : memref<2x8x50x64xf32, #tpu.memory_space<vmem>> -> memref<1x1x50x64xf32, #tpu.memory_space<vmem>>
      %dma_start3A_573 = tpu.memref_squeeze %dma_start3A_572 : memref<1x1x50x64xf32, #tpu.memory_space<vmem>> -> memref<50x64xf32, #tpu.memory_space<vmem>>
      %dma_start3A_574 = arith.constant 0 : i32
      %dma_start3A_575 = tpu.memref_slice %arg5[%add3A_567, %dma_start3A_574] : memref<512x50xi32, #tpu.memory_space<vmem>> -> memref<1x50xi32, #tpu.memory_space<vmem>>
      %dma_start3A_576 = tpu.memref_squeeze %dma_start3A_575 : memref<1x50xi32, #tpu.memory_space<vmem>> -> memref<50xi32, #tpu.memory_space<vmem>>
      %dma_start3A_577 = arith.constant 0 : i32
      %dma_start3A_578 = arith.constant 0 : i32
      %dma_start3A_579 = tpu.memref_slice %arg6[%dma_start3A_577, %dma_start3A_578] : memref<144x64xf32, #tpu.memory_space<vmem_shared>> -> memref<144x64xf32, #tpu.memory_space<vmem_shared>>
      tpu.enqueue_indirect_dma source(%dma_start3A_579 : memref<144x64xf32, #tpu.memory_space<vmem_shared>>) target(%dma_start3A_573 : memref<50x64xf32, #tpu.memory_space<vmem>>) offsets(%dma_start3A_576 : memref<50xi32, #tpu.memory_space<vmem>>) semaphore(%arg8 : memref<!tpu.dma_semaphore, #tpu.memory_space<semaphore_mem>>)
      %mul3A_580 = arith.constant 8 : i32
      %mul3A_581 = arith.muli %add3A_498, %mul3A_580 : i32
      %add3A_582 = arith.constant 4 : i32
      %add3A_583 = arith.addi %mul3A_581, %add3A_582 : i32
      %dma_start3A_584 = arith.constant 0 : i32
      %dma_start3A_585 = arith.constant 4 : i32
      %dma_start3A_586 = arith.constant 0 : i32
      %dma_start3A_587 = arith.constant 0 : i32
      %dma_start3A_588 = tpu.memref_slice %arg7[%dma_start3A_584, %dma_start3A_585, %dma_start3A_586, %dma_start3A_587] : memref<2x8x50x64xf32, #tpu.memory_space<vmem>> -> memref<1x1x50x64xf32, #tpu.memory_space<vmem>>
      %dma_start3A_589 = tpu.memref_squeeze %dma_start3A_588 : memref<1x1x50x64xf32, #tpu.memory_space<vmem>> -> memref<50x64xf32, #tpu.memory_space<vmem>>
      %dma_start3A_590 = arith.constant 0 : i32
      %dma_start3A_591 = tpu.memref_slice %arg5[%add3A_583, %dma_start3A_590] : memref<512x50xi32, #tpu.memory_space<vmem>> -> memref<1x50xi32, #tpu.memory_space<vmem>>
      %dma_start3A_592 = tpu.memref_squeeze %dma_start3A_591 : memref<1x50xi32, #tpu.memory_space<vmem>> -> memref<50xi32, #tpu.memory_space<vmem>>
      %dma_start3A_593 = arith.constant 0 : i32
      %dma_start3A_594 = arith.constant 0 : i32
      %dma_start3A_595 = tpu.memref_slice %arg6[%dma_start3A_593, %dma_start3A_594] : memref<144x64xf32, #tpu.memory_space<vmem_shared>> -> memref<144x64xf32, #tpu.memory_space<vmem_shared>>
      tpu.enqueue_indirect_dma source(%dma_start3A_595 : memref<144x64xf32, #tpu.memory_space<vmem_shared>>) target(%dma_start3A_589 : memref<50x64xf32, #tpu.memory_space<vmem>>) offsets(%dma_start3A_592 : memref<50xi32, #tpu.memory_space<vmem>>) semaphore(%arg8 : memref<!tpu.dma_semaphore, #tpu.memory_space<semaphore_mem>>)
      %mul3A_596 = arith.constant 8 : i32
      %mul3A_597 = arith.muli %add3A_498, %mul3A_596 : i32
      %add3A_598 = arith.constant 5 : i32
      %add3A_599 = arith.addi %mul3A_597, %add3A_598 : i32
      %dma_start3A_600 = arith.constant 0 : i32
      %dma_start3A_601 = arith.constant 5 : i32
      %dma_start3A_602 = arith.constant 0 : i32
      %dma_start3A_603 = arith.constant 0 : i32
      %dma_start3A_604 = tpu.memref_slice %arg7[%dma_start3A_600, %dma_start3A_601, %dma_start3A_602, %dma_start3A_603] : memref<2x8x50x64xf32, #tpu.memory_space<vmem>> -> memref<1x1x50x64xf32, #tpu.memory_space<vmem>>
      %dma_start3A_605 = tpu.memref_squeeze %dma_start3A_604 : memref<1x1x50x64xf32, #tpu.memory_space<vmem>> -> memref<50x64xf32, #tpu.memory_space<vmem>>
      %dma_start3A_606 = arith.constant 0 : i32
      %dma_start3A_607 = tpu.memref_slice %arg5[%add3A_599, %dma_start3A_606] : memref<512x50xi32, #tpu.memory_space<vmem>> -> memref<1x50xi32, #tpu.memory_space<vmem>>
      %dma_start3A_608 = tpu.memref_squeeze %dma_start3A_607 : memref<1x50xi32, #tpu.memory_space<vmem>> -> memref<50xi32, #tpu.memory_space<vmem>>
      %dma_start3A_609 = arith.constant 0 : i32
      %dma_start3A_610 = arith.constant 0 : i32
      %dma_start3A_611 = tpu.memref_slice %arg6[%dma_start3A_609, %dma_start3A_610] : memref<144x64xf32, #tpu.memory_space<vmem_shared>> -> memref<144x64xf32, #tpu.memory_space<vmem_shared>>
      tpu.enqueue_indirect_dma source(%dma_start3A_611 : memref<144x64xf32, #tpu.memory_space<vmem_shared>>) target(%dma_start3A_605 : memref<50x64xf32, #tpu.memory_space<vmem>>) offsets(%dma_start3A_608 : memref<50xi32, #tpu.memory_space<vmem>>) semaphore(%arg8 : memref<!tpu.dma_semaphore, #tpu.memory_space<semaphore_mem>>)
      %mul3A_612 = arith.constant 8 : i32
      %mul3A_613 = arith.muli %add3A_498, %mul3A_612 : i32
      %add3A_614 = arith.constant 6 : i32
      %add3A_615 = arith.addi %mul3A_613, %add3A_614 : i32
      %dma_start3A_616 = arith.constant 0 : i32
      %dma_start3A_617 = arith.constant 6 : i32
      %dma_start3A_618 = arith.constant 0 : i32
      %dma_start3A_619 = arith.constant 0 : i32
      %dma_start3A_620 = tpu.memref_slice %arg7[%dma_start3A_616, %dma_start3A_617, %dma_start3A_618, %dma_start3A_619] : memref<2x8x50x64xf32, #tpu.memory_space<vmem>> -> memref<1x1x50x64xf32, #tpu.memory_space<vmem>>
      %dma_start3A_621 = tpu.memref_squeeze %dma_start3A_620 : memref<1x1x50x64xf32, #tpu.memory_space<vmem>> -> memref<50x64xf32, #tpu.memory_space<vmem>>
      %dma_start3A_622 = arith.constant 0 : i32
      %dma_start3A_623 = tpu.memref_slice %arg5[%add3A_615, %dma_start3A_622] : memref<512x50xi32, #tpu.memory_space<vmem>> -> memref<1x50xi32, #tpu.memory_space<vmem>>
      %dma_start3A_624 = tpu.memref_squeeze %dma_start3A_623 : memref<1x50xi32, #tpu.memory_space<vmem>> -> memref<50xi32, #tpu.memory_space<vmem>>
      %dma_start3A_625 = arith.constant 0 : i32
      %dma_start3A_626 = arith.constant 0 : i32
      %dma_start3A_627 = tpu.memref_slice %arg6[%dma_start3A_625, %dma_start3A_626] : memref<144x64xf32, #tpu.memory_space<vmem_shared>> -> memref<144x64xf32, #tpu.memory_space<vmem_shared>>
      tpu.enqueue_indirect_dma source(%dma_start3A_627 : memref<144x64xf32, #tpu.memory_space<vmem_shared>>) target(%dma_start3A_621 : memref<50x64xf32, #tpu.memory_space<vmem>>) offsets(%dma_start3A_624 : memref<50xi32, #tpu.memory_space<vmem>>) semaphore(%arg8 : memref<!tpu.dma_semaphore, #tpu.memory_space<semaphore_mem>>)
      %mul3A_628 = arith.constant 8 : i32
      %mul3A_629 = arith.muli %add3A_498, %mul3A_628 : i32
      %add3A_630 = arith.constant 7 : i32
      %add3A_631 = arith.addi %mul3A_629, %add3A_630 : i32
      %dma_start3A_632 = arith.constant 0 : i32
      %dma_start3A_633 = arith.constant 7 : i32
      %dma_start3A_634 = arith.constant 0 : i32
      %dma_start3A_635 = arith.constant 0 : i32
      %dma_start3A_636 = tpu.memref_slice %arg7[%dma_start3A_632, %dma_start3A_633, %dma_start3A_634, %dma_start3A_635] : memref<2x8x50x64xf32, #tpu.memory_space<vmem>> -> memref<1x1x50x64xf32, #tpu.memory_space<vmem>>
      %dma_start3A_637 = tpu.memref_squeeze %dma_start3A_636 : memref<1x1x50x64xf32, #tpu.memory_space<vmem>> -> memref<50x64xf32, #tpu.memory_space<vmem>>
      %dma_start3A_638 = arith.constant 0 : i32
      %dma_start3A_639 = tpu.memref_slice %arg5[%add3A_631, %dma_start3A_638] : memref<512x50xi32, #tpu.memory_space<vmem>> -> memref<1x50xi32, #tpu.memory_space<vmem>>
      %dma_start3A_640 = tpu.memref_squeeze %dma_start3A_639 : memref<1x50xi32, #tpu.memory_space<vmem>> -> memref<50xi32, #tpu.memory_space<vmem>>
      %dma_start3A_641 = arith.constant 0 : i32
      %dma_start3A_642 = arith.constant 0 : i32
      %dma_start3A_643 = tpu.memref_slice %arg6[%dma_start3A_641, %dma_start3A_642] : memref<144x64xf32, #tpu.memory_space<vmem_shared>> -> memref<144x64xf32, #tpu.memory_space<vmem_shared>>
      tpu.enqueue_indirect_dma source(%dma_start3A_643 : memref<144x64xf32, #tpu.memory_space<vmem_shared>>) target(%dma_start3A_637 : memref<50x64xf32, #tpu.memory_space<vmem>>) offsets(%dma_start3A_640 : memref<50xi32, #tpu.memory_space<vmem>>) semaphore(%arg8 : memref<!tpu.dma_semaphore, #tpu.memory_space<semaphore_mem>>)
      %dma_wait3A_644 = arith.constant 0 : i32
      %dma_wait3A_645 = arith.constant 0 : i32
      %dma_wait3A_646 = arith.constant 0 : i32
      %dma_wait3A_647 = arith.constant 0 : i32
      %dma_wait3A_648 = tpu.memref_slice %arg7[%dma_wait3A_644, %dma_wait3A_645, %dma_wait3A_646, %dma_wait3A_647] : memref<2x8x50x64xf32, #tpu.memory_space<vmem>> -> memref<1x1x50x64xf32, #tpu.memory_space<vmem>>
      %dma_wait3A_649 = tpu.memref_squeeze %dma_wait3A_648 : memref<1x1x50x64xf32, #tpu.memory_space<vmem>> -> memref<50x64xf32, #tpu.memory_space<vmem>>
      %dma_wait3A_650 = arith.constant 0 : i32
      %dma_wait3A_651 = tpu.memref_slice %arg5[%add3A_519, %dma_wait3A_650] : memref<512x50xi32, #tpu.memory_space<vmem>> -> memref<1x50xi32, #tpu.memory_space<vmem>>
      %dma_wait3A_652 = tpu.memref_squeeze %dma_wait3A_651 : memref<1x50xi32, #tpu.memory_space<vmem>> -> memref<50xi32, #tpu.memory_space<vmem>>
      %dma_wait3A_653 = arith.constant 0 : i32
      %dma_wait3A_654 = arith.constant 0 : i32
      %dma_wait3A_655 = tpu.memref_slice %arg6[%dma_wait3A_653, %dma_wait3A_654] : memref<144x64xf32, #tpu.memory_space<vmem_shared>> -> memref<144x64xf32, #tpu.memory_space<vmem_shared>>
      tpu.wait_indirect_dma semaphore(%arg8 : memref<!tpu.dma_semaphore, #tpu.memory_space<semaphore_mem>>) src(%dma_wait3A_655 : memref<144x64xf32, #tpu.memory_space<vmem_shared>>) dst(%dma_wait3A_649 : memref<50x64xf32, #tpu.memory_space<vmem>>)
      %dma_wait3A_656 = arith.constant 0 : i32
      %dma_wait3A_657 = arith.constant 1 : i32
      %dma_wait3A_658 = arith.constant 0 : i32
      %dma_wait3A_659 = arith.constant 0 : i32
      %dma_wait3A_660 = tpu.memref_slice %arg7[%dma_wait3A_656, %dma_wait3A_657, %dma_wait3A_658, %dma_wait3A_659] : memref<2x8x50x64xf32, #tpu.memory_space<vmem>> -> memref<1x1x50x64xf32, #tpu.memory_space<vmem>>
      %dma_wait3A_661 = tpu.memref_squeeze %dma_wait3A_660 : memref<1x1x50x64xf32, #tpu.memory_space<vmem>> -> memref<50x64xf32, #tpu.memory_space<vmem>>
      %dma_wait3A_662 = arith.constant 0 : i32
      %dma_wait3A_663 = tpu.memref_slice %arg5[%add3A_535, %dma_wait3A_662] : memref<512x50xi32, #tpu.memory_space<vmem>> -> memref<1x50xi32, #tpu.memory_space<vmem>>
      %dma_wait3A_664 = tpu.memref_squeeze %dma_wait3A_663 : memref<1x50xi32, #tpu.memory_space<vmem>> -> memref<50xi32, #tpu.memory_space<vmem>>
      %dma_wait3A_665 = arith.constant 0 : i32
      %dma_wait3A_666 = arith.constant 0 : i32
      %dma_wait3A_667 = tpu.memref_slice %arg6[%dma_wait3A_665, %dma_wait3A_666] : memref<144x64xf32, #tpu.memory_space<vmem_shared>> -> memref<144x64xf32, #tpu.memory_space<vmem_shared>>
      tpu.wait_indirect_dma semaphore(%arg8 : memref<!tpu.dma_semaphore, #tpu.memory_space<semaphore_mem>>) src(%dma_wait3A_667 : memref<144x64xf32, #tpu.memory_space<vmem_shared>>) dst(%dma_wait3A_661 : memref<50x64xf32, #tpu.memory_space<vmem>>)
      %dma_wait3A_668 = arith.constant 0 : i32
      %dma_wait3A_669 = arith.constant 2 : i32
      %dma_wait3A_670 = arith.constant 0 : i32
      %dma_wait3A_671 = arith.constant 0 : i32
      %dma_wait3A_672 = tpu.memref_slice %arg7[%dma_wait3A_668, %dma_wait3A_669, %dma_wait3A_670, %dma_wait3A_671] : memref<2x8x50x64xf32, #tpu.memory_space<vmem>> -> memref<1x1x50x64xf32, #tpu.memory_space<vmem>>
      %dma_wait3A_673 = tpu.memref_squeeze %dma_wait3A_672 : memref<1x1x50x64xf32, #tpu.memory_space<vmem>> -> memref<50x64xf32, #tpu.memory_space<vmem>>
      %dma_wait3A_674 = arith.constant 0 : i32
      %dma_wait3A_675 = tpu.memref_slice %arg5[%add3A_551, %dma_wait3A_674] : memref<512x50xi32, #tpu.memory_space<vmem>> -> memref<1x50xi32, #tpu.memory_space<vmem>>
      %dma_wait3A_676 = tpu.memref_squeeze %dma_wait3A_675 : memref<1x50xi32, #tpu.memory_space<vmem>> -> memref<50xi32, #tpu.memory_space<vmem>>
      %dma_wait3A_677 = arith.constant 0 : i32
      %dma_wait3A_678 = arith.constant 0 : i32
      %dma_wait3A_679 = tpu.memref_slice %arg6[%dma_wait3A_677, %dma_wait3A_678] : memref<144x64xf32, #tpu.memory_space<vmem_shared>> -> memref<144x64xf32, #tpu.memory_space<vmem_shared>>
      tpu.wait_indirect_dma semaphore(%arg8 : memref<!tpu.dma_semaphore, #tpu.memory_space<semaphore_mem>>) src(%dma_wait3A_679 : memref<144x64xf32, #tpu.memory_space<vmem_shared>>) dst(%dma_wait3A_673 : memref<50x64xf32, #tpu.memory_space<vmem>>)
      %dma_wait3A_680 = arith.constant 0 : i32
      %dma_wait3A_681 = arith.constant 3 : i32
      %dma_wait3A_682 = arith.constant 0 : i32
      %dma_wait3A_683 = arith.constant 0 : i32
      %dma_wait3A_684 = tpu.memref_slice %arg7[%dma_wait3A_680, %dma_wait3A_681, %dma_wait3A_682, %dma_wait3A_683] : memref<2x8x50x64xf32, #tpu.memory_space<vmem>> -> memref<1x1x50x64xf32, #tpu.memory_space<vmem>>
      %dma_wait3A_685 = tpu.memref_squeeze %dma_wait3A_684 : memref<1x1x50x64xf32, #tpu.memory_space<vmem>> -> memref<50x64xf32, #tpu.memory_space<vmem>>
      %dma_wait3A_686 = arith.constant 0 : i32
      %dma_wait3A_687 = tpu.memref_slice %arg5[%add3A_567, %dma_wait3A_686] : memref<512x50xi32, #tpu.memory_space<vmem>> -> memref<1x50xi32, #tpu.memory_space<vmem>>
      %dma_wait3A_688 = tpu.memref_squeeze %dma_wait3A_687 : memref<1x50xi32, #tpu.memory_space<vmem>> -> memref<50xi32, #tpu.memory_space<vmem>>
      %dma_wait3A_689 = arith.constant 0 : i32
      %dma_wait3A_690 = arith.constant 0 : i32
      %dma_wait3A_691 = tpu.memref_slice %arg6[%dma_wait3A_689, %dma_wait3A_690] : memref<144x64xf32, #tpu.memory_space<vmem_shared>> -> memref<144x64xf32, #tpu.memory_space<vmem_shared>>
      tpu.wait_indirect_dma semaphore(%arg8 : memref<!tpu.dma_semaphore, #tpu.memory_space<semaphore_mem>>) src(%dma_wait3A_691 : memref<144x64xf32, #tpu.memory_space<vmem_shared>>) dst(%dma_wait3A_685 : memref<50x64xf32, #tpu.memory_space<vmem>>)
      %dma_wait3A_692 = arith.constant 0 : i32
      %dma_wait3A_693 = arith.constant 4 : i32
      %dma_wait3A_694 = arith.constant 0 : i32
      %dma_wait3A_695 = arith.constant 0 : i32
      %dma_wait3A_696 = tpu.memref_slice %arg7[%dma_wait3A_692, %dma_wait3A_693, %dma_wait3A_694, %dma_wait3A_695] : memref<2x8x50x64xf32, #tpu.memory_space<vmem>> -> memref<1x1x50x64xf32, #tpu.memory_space<vmem>>
      %dma_wait3A_697 = tpu.memref_squeeze %dma_wait3A_696 : memref<1x1x50x64xf32, #tpu.memory_space<vmem>> -> memref<50x64xf32, #tpu.memory_space<vmem>>
      %dma_wait3A_698 = arith.constant 0 : i32
      %dma_wait3A_699 = tpu.memref_slice %arg5[%add3A_583, %dma_wait3A_698] : memref<512x50xi32, #tpu.memory_space<vmem>> -> memref<1x50xi32, #tpu.memory_space<vmem>>
      %dma_wait3A_700 = tpu.memref_squeeze %dma_wait3A_699 : memref<1x50xi32, #tpu.memory_space<vmem>> -> memref<50xi32, #tpu.memory_space<vmem>>
      %dma_wait3A_701 = arith.constant 0 : i32
      %dma_wait3A_702 = arith.constant 0 : i32
      %dma_wait3A_703 = tpu.memref_slice %arg6[%dma_wait3A_701, %dma_wait3A_702] : memref<144x64xf32, #tpu.memory_space<vmem_shared>> -> memref<144x64xf32, #tpu.memory_space<vmem_shared>>
      tpu.wait_indirect_dma semaphore(%arg8 : memref<!tpu.dma_semaphore, #tpu.memory_space<semaphore_mem>>) src(%dma_wait3A_703 : memref<144x64xf32, #tpu.memory_space<vmem_shared>>) dst(%dma_wait3A_697 : memref<50x64xf32, #tpu.memory_space<vmem>>)
      %dma_wait3A_704 = arith.constant 0 : i32
      %dma_wait3A_705 = arith.constant 5 : i32
      %dma_wait3A_706 = arith.constant 0 : i32
      %dma_wait3A_707 = arith.constant 0 : i32
      %dma_wait3A_708 = tpu.memref_slice %arg7[%dma_wait3A_704, %dma_wait3A_705, %dma_wait3A_706, %dma_wait3A_707] : memref<2x8x50x64xf32, #tpu.memory_space<vmem>> -> memref<1x1x50x64xf32, #tpu.memory_space<vmem>>
      %dma_wait3A_709 = tpu.memref_squeeze %dma_wait3A_708 : memref<1x1x50x64xf32, #tpu.memory_space<vmem>> -> memref<50x64xf32, #tpu.memory_space<vmem>>
      %dma_wait3A_710 = arith.constant 0 : i32
      %dma_wait3A_711 = tpu.memref_slice %arg5[%add3A_599, %dma_wait3A_710] : memref<512x50xi32, #tpu.memory_space<vmem>> -> memref<1x50xi32, #tpu.memory_space<vmem>>
      %dma_wait3A_712 = tpu.memref_squeeze %dma_wait3A_711 : memref<1x50xi32, #tpu.memory_space<vmem>> -> memref<50xi32, #tpu.memory_space<vmem>>
      %dma_wait3A_713 = arith.constant 0 : i32
      %dma_wait3A_714 = arith.constant 0 : i32
      %dma_wait3A_715 = tpu.memref_slice %arg6[%dma_wait3A_713, %dma_wait3A_714] : memref<144x64xf32, #tpu.memory_space<vmem_shared>> -> memref<144x64xf32, #tpu.memory_space<vmem_shared>>
      tpu.wait_indirect_dma semaphore(%arg8 : memref<!tpu.dma_semaphore, #tpu.memory_space<semaphore_mem>>) src(%dma_wait3A_715 : memref<144x64xf32, #tpu.memory_space<vmem_shared>>) dst(%dma_wait3A_709 : memref<50x64xf32, #tpu.memory_space<vmem>>)
      %dma_wait3A_716 = arith.constant 0 : i32
      %dma_wait3A_717 = arith.constant 6 : i32
      %dma_wait3A_718 = arith.constant 0 : i32
      %dma_wait3A_719 = arith.constant 0 : i32
      %dma_wait3A_720 = tpu.memref_slice %arg7[%dma_wait3A_716, %dma_wait3A_717, %dma_wait3A_718, %dma_wait3A_719] : memref<2x8x50x64xf32, #tpu.memory_space<vmem>> -> memref<1x1x50x64xf32, #tpu.memory_space<vmem>>
      %dma_wait3A_721 = tpu.memref_squeeze %dma_wait3A_720 : memref<1x1x50x64xf32, #tpu.memory_space<vmem>> -> memref<50x64xf32, #tpu.memory_space<vmem>>
      %dma_wait3A_722 = arith.constant 0 : i32
      %dma_wait3A_723 = tpu.memref_slice %arg5[%add3A_615, %dma_wait3A_722] : memref<512x50xi32, #tpu.memory_space<vmem>> -> memref<1x50xi32, #tpu.memory_space<vmem>>
      %dma_wait3A_724 = tpu.memref_squeeze %dma_wait3A_723 : memref<1x50xi32, #tpu.memory_space<vmem>> -> memref<50xi32, #tpu.memory_space<vmem>>
      %dma_wait3A_725 = arith.constant 0 : i32
      %dma_wait3A_726 = arith.constant 0 : i32
      %dma_wait3A_727 = tpu.memref_slice %arg6[%dma_wait3A_725, %dma_wait3A_726] : memref<144x64xf32, #tpu.memory_space<vmem_shared>> -> memref<144x64xf32, #tpu.memory_space<vmem_shared>>
      tpu.wait_indirect_dma semaphore(%arg8 : memref<!tpu.dma_semaphore, #tpu.memory_space<semaphore_mem>>) src(%dma_wait3A_727 : memref<144x64xf32, #tpu.memory_space<vmem_shared>>) dst(%dma_wait3A_721 : memref<50x64xf32, #tpu.memory_space<vmem>>)
      %dma_wait3A_728 = arith.constant 0 : i32
      %dma_wait3A_729 = arith.constant 7 : i32
      %dma_wait3A_730 = arith.constant 0 : i32
      %dma_wait3A_731 = arith.constant 0 : i32
      %dma_wait3A_732 = tpu.memref_slice %arg7[%dma_wait3A_728, %dma_wait3A_729, %dma_wait3A_730, %dma_wait3A_731] : memref<2x8x50x64xf32, #tpu.memory_space<vmem>> -> memref<1x1x50x64xf32, #tpu.memory_space<vmem>>
      %dma_wait3A_733 = tpu.memref_squeeze %dma_wait3A_732 : memref<1x1x50x64xf32, #tpu.memory_space<vmem>> -> memref<50x64xf32, #tpu.memory_space<vmem>>
      %dma_wait3A_734 = arith.constant 0 : i32
      %dma_wait3A_735 = tpu.memref_slice %arg5[%add3A_631, %dma_wait3A_734] : memref<512x50xi32, #tpu.memory_space<vmem>> -> memref<1x50xi32, #tpu.memory_space<vmem>>
      %dma_wait3A_736 = tpu.memref_squeeze %dma_wait3A_735 : memref<1x50xi32, #tpu.memory_space<vmem>> -> memref<50xi32, #tpu.memory_space<vmem>>
      %dma_wait3A_737 = arith.constant 0 : i32
      %dma_wait3A_738 = arith.constant 0 : i32
      %dma_wait3A_739 = tpu.memref_slice %arg6[%dma_wait3A_737, %dma_wait3A_738] : memref<144x64xf32, #tpu.memory_space<vmem_shared>> -> memref<144x64xf32, #tpu.memory_space<vmem_shared>>
      tpu.wait_indirect_dma semaphore(%arg8 : memref<!tpu.dma_semaphore, #tpu.memory_space<semaphore_mem>>) src(%dma_wait3A_739 : memref<144x64xf32, #tpu.memory_space<vmem_shared>>) dst(%dma_wait3A_733 : memref<50x64xf32, #tpu.memory_space<vmem>>)
      %mul3A_740 = arith.constant 8 : i32
      %mul3A_741 = arith.muli %add3A_498, %mul3A_740 : i32
      %add3A_742 = arith.addi %mul3A_2, %mul3A_741 : i32
      %dma_start3A_743 = arith.constant 0 : i32
      %dma_start3A_744 = arith.constant 0 : i32
      %dma_start3A_745 = arith.constant 0 : i32
      %dma_start3A_746 = arith.constant 0 : i32
      %dma_start3A_747 = tpu.memref_slice %arg7[%dma_start3A_743, %dma_start3A_744, %dma_start3A_745, %dma_start3A_746] : memref<2x8x50x64xf32, #tpu.memory_space<vmem>> -> memref<1x8x50x64xf32, #tpu.memory_space<vmem>>
      %dma_start3A_748 = tpu.memref_squeeze %dma_start3A_747 : memref<1x8x50x64xf32, #tpu.memory_space<vmem>> -> memref<8x50x64xf32, #tpu.memory_space<vmem>>
      %dma_start3A_749 = arith.constant 0 : i32
      %dma_start3A_750 = arith.constant 0 : i32
      %dma_start3A_751 = tpu.memref_slice %arg4[%add3A_742, %dma_start3A_749, %dma_start3A_750] : memref<16384x50x64xf32, #tpu.memory_space<hbm>> -> memref<8x50x64xf32, #tpu.memory_space<hbm>>
      %dma_start3A_752 = arith.constant 0 : i32
      %dma_start3A_753 = arith.constant 0 : i32
      %dma_start3A_754 = tpu.memref_slice %arg4[%add3A_742, %dma_start3A_752, %dma_start3A_753] : memref<16384x50x64xf32, #tpu.memory_space<hbm>> -> memref<8x50x64xf32, #tpu.memory_space<hbm>>
      %dma_start3A_755 = arith.constant 0 : i32
      %dma_start3A_756 = arith.constant 0 : i32
      %dma_start3A_757 = arith.constant 0 : i32
      %dma_start3A_758 = tpu.memref_slice %arg7[%dma_start3A_743, %dma_start3A_755, %dma_start3A_756, %dma_start3A_757] : memref<2x8x50x64xf32, #tpu.memory_space<vmem>> -> memref<1x8x50x64xf32, #tpu.memory_space<vmem>>
      %dma_start3A_759 = tpu.memref_squeeze %dma_start3A_758 : memref<1x8x50x64xf32, #tpu.memory_space<vmem>> -> memref<8x50x64xf32, #tpu.memory_space<vmem>>
      tpu.enqueue_dma source(%dma_start3A_759 : memref<8x50x64xf32, #tpu.memory_space<vmem>>) target(%dma_start3A_754 : memref<8x50x64xf32, #tpu.memory_space<hbm>>) target_semaphore(%arg9 : memref<!tpu.dma_semaphore, #tpu.memory_space<semaphore_mem>>)
      %mul3A_760 = arith.constant 2 : i32
      %mul3A_761 = arith.muli %mul3A_760, %scan3A_494 : i32
      %add3A_762 = arith.constant 1 : i32
      %add3A_763 = arith.addi %mul3A_761, %add3A_762 : i32
      %dma_wait3A_764 = arith.constant 1 : i32
      %dma_wait3A_765 = arith.constant 0 : i32
      %dma_wait3A_766 = arith.constant 0 : i32
      %dma_wait3A_767 = arith.constant 0 : i32
      %dma_wait3A_768 = tpu.memref_slice %arg7[%dma_wait3A_764, %dma_wait3A_765, %dma_wait3A_766, %dma_wait3A_767] : memref<2x8x50x64xf32, #tpu.memory_space<vmem>> -> memref<1x8x50x64xf32, #tpu.memory_space<vmem>>
      %dma_wait3A_769 = tpu.memref_squeeze %dma_wait3A_768 : memref<1x8x50x64xf32, #tpu.memory_space<vmem>> -> memref<8x50x64xf32, #tpu.memory_space<vmem>>
      %dma_wait3A_770 = arith.constant 0 : i32
      %dma_wait3A_771 = arith.constant 0 : i32
      %dma_wait3A_772 = tpu.memref_slice %arg4[%mul3A_2, %dma_wait3A_770, %dma_wait3A_771] : memref<16384x50x64xf32, #tpu.memory_space<hbm>> -> memref<8x50x64xf32, #tpu.memory_space<hbm>>
      %dma_wait3A_773 = arith.constant 0 : i32
      %dma_wait3A_774 = arith.constant 0 : i32
      %dma_wait3A_775 = tpu.memref_slice %arg4[%mul3A_2, %dma_wait3A_773, %dma_wait3A_774] : memref<16384x50x64xf32, #tpu.memory_space<hbm>> -> memref<8x50x64xf32, #tpu.memory_space<hbm>>
      %dma_wait3A_776 = arith.constant 0 : i32
      %dma_wait3A_777 = arith.constant 0 : i32
      %dma_wait3A_778 = arith.constant 0 : i32
      %dma_wait3A_779 = tpu.memref_slice %arg7[%dma_wait3A_764, %dma_wait3A_776, %dma_wait3A_777, %dma_wait3A_778] : memref<2x8x50x64xf32, #tpu.memory_space<vmem>> -> memref<1x8x50x64xf32, #tpu.memory_space<vmem>>
      %dma_wait3A_780 = tpu.memref_squeeze %dma_wait3A_779 : memref<1x8x50x64xf32, #tpu.memory_space<vmem>> -> memref<8x50x64xf32, #tpu.memory_space<vmem>>
      tpu.wait_dma2 semaphore(%arg10 : memref<!tpu.dma_semaphore, #tpu.memory_space<semaphore_mem>>) src(%dma_wait3A_780 : memref<8x50x64xf32, #tpu.memory_space<vmem>>) dst(%dma_wait3A_775 : memref<8x50x64xf32, #tpu.memory_space<hbm>>)
      %mul3A_781 = arith.constant 8 : i32
      %mul3A_782 = arith.muli %add3A_763, %mul3A_781 : i32
      %add3A_783 = arith.constant 0 : i32
      %add3A_784 = arith.addi %mul3A_782, %add3A_783 : i32
      %dma_start3A_785 = arith.constant 1 : i32
      %dma_start3A_786 = arith.constant 0 : i32
      %dma_start3A_787 = arith.constant 0 : i32
      %dma_start3A_788 = arith.constant 0 : i32
      %dma_start3A_789 = tpu.memref_slice %arg7[%dma_start3A_785, %dma_start3A_786, %dma_start3A_787, %dma_start3A_788] : memref<2x8x50x64xf32, #tpu.memory_space<vmem>> -> memref<1x1x50x64xf32, #tpu.memory_space<vmem>>
      %dma_start3A_790 = tpu.memref_squeeze %dma_start3A_789 : memref<1x1x50x64xf32, #tpu.memory_space<vmem>> -> memref<50x64xf32, #tpu.memory_space<vmem>>
      %dma_start3A_791 = arith.constant 0 : i32
      %dma_start3A_792 = tpu.memref_slice %arg5[%add3A_784, %dma_start3A_791] : memref<512x50xi32, #tpu.memory_space<vmem>> -> memref<1x50xi32, #tpu.memory_space<vmem>>
      %dma_start3A_793 = tpu.memref_squeeze %dma_start3A_792 : memref<1x50xi32, #tpu.memory_space<vmem>> -> memref<50xi32, #tpu.memory_space<vmem>>
      %dma_start3A_794 = arith.constant 0 : i32
      %dma_start3A_795 = arith.constant 0 : i32
      %dma_start3A_796 = tpu.memref_slice %arg6[%dma_start3A_794, %dma_start3A_795] : memref<144x64xf32, #tpu.memory_space<vmem_shared>> -> memref<144x64xf32, #tpu.memory_space<vmem_shared>>
      tpu.enqueue_indirect_dma source(%dma_start3A_796 : memref<144x64xf32, #tpu.memory_space<vmem_shared>>) target(%dma_start3A_790 : memref<50x64xf32, #tpu.memory_space<vmem>>) offsets(%dma_start3A_793 : memref<50xi32, #tpu.memory_space<vmem>>) semaphore(%arg8 : memref<!tpu.dma_semaphore, #tpu.memory_space<semaphore_mem>>)
      %mul3A_797 = arith.constant 8 : i32
      %mul3A_798 = arith.muli %add3A_763, %mul3A_797 : i32
      %add3A_799 = arith.constant 1 : i32
      %add3A_800 = arith.addi %mul3A_798, %add3A_799 : i32
      %dma_start3A_801 = arith.constant 1 : i32
      %dma_start3A_802 = arith.constant 1 : i32
      %dma_start3A_803 = arith.constant 0 : i32
      %dma_start3A_804 = arith.constant 0 : i32
      %dma_start3A_805 = tpu.memref_slice %arg7[%dma_start3A_801, %dma_start3A_802, %dma_start3A_803, %dma_start3A_804] : memref<2x8x50x64xf32, #tpu.memory_space<vmem>> -> memref<1x1x50x64xf32, #tpu.memory_space<vmem>>
      %dma_start3A_806 = tpu.memref_squeeze %dma_start3A_805 : memref<1x1x50x64xf32, #tpu.memory_space<vmem>> -> memref<50x64xf32, #tpu.memory_space<vmem>>
      %dma_start3A_807 = arith.constant 0 : i32
      %dma_start3A_808 = tpu.memref_slice %arg5[%add3A_800, %dma_start3A_807] : memref<512x50xi32, #tpu.memory_space<vmem>> -> memref<1x50xi32, #tpu.memory_space<vmem>>
      %dma_start3A_809 = tpu.memref_squeeze %dma_start3A_808 : memref<1x50xi32, #tpu.memory_space<vmem>> -> memref<50xi32, #tpu.memory_space<vmem>>
      %dma_start3A_810 = arith.constant 0 : i32
      %dma_start3A_811 = arith.constant 0 : i32
      %dma_start3A_812 = tpu.memref_slice %arg6[%dma_start3A_810, %dma_start3A_811] : memref<144x64xf32, #tpu.memory_space<vmem_shared>> -> memref<144x64xf32, #tpu.memory_space<vmem_shared>>
      tpu.enqueue_indirect_dma source(%dma_start3A_812 : memref<144x64xf32, #tpu.memory_space<vmem_shared>>) target(%dma_start3A_806 : memref<50x64xf32, #tpu.memory_space<vmem>>) offsets(%dma_start3A_809 : memref<50xi32, #tpu.memory_space<vmem>>) semaphore(%arg8 : memref<!tpu.dma_semaphore, #tpu.memory_space<semaphore_mem>>)
      %mul3A_813 = arith.constant 8 : i32
      %mul3A_814 = arith.muli %add3A_763, %mul3A_813 : i32
      %add3A_815 = arith.constant 2 : i32
      %add3A_816 = arith.addi %mul3A_814, %add3A_815 : i32
      %dma_start3A_817 = arith.constant 1 : i32
      %dma_start3A_818 = arith.constant 2 : i32
      %dma_start3A_819 = arith.constant 0 : i32
      %dma_start3A_820 = arith.constant 0 : i32
      %dma_start3A_821 = tpu.memref_slice %arg7[%dma_start3A_817, %dma_start3A_818, %dma_start3A_819, %dma_start3A_820] : memref<2x8x50x64xf32, #tpu.memory_space<vmem>> -> memref<1x1x50x64xf32, #tpu.memory_space<vmem>>
      %dma_start3A_822 = tpu.memref_squeeze %dma_start3A_821 : memref<1x1x50x64xf32, #tpu.memory_space<vmem>> -> memref<50x64xf32, #tpu.memory_space<vmem>>
      %dma_start3A_823 = arith.constant 0 : i32
      %dma_start3A_824 = tpu.memref_slice %arg5[%add3A_816, %dma_start3A_823] : memref<512x50xi32, #tpu.memory_space<vmem>> -> memref<1x50xi32, #tpu.memory_space<vmem>>
      %dma_start3A_825 = tpu.memref_squeeze %dma_start3A_824 : memref<1x50xi32, #tpu.memory_space<vmem>> -> memref<50xi32, #tpu.memory_space<vmem>>
      %dma_start3A_826 = arith.constant 0 : i32
      %dma_start3A_827 = arith.constant 0 : i32
      %dma_start3A_828 = tpu.memref_slice %arg6[%dma_start3A_826, %dma_start3A_827] : memref<144x64xf32, #tpu.memory_space<vmem_shared>> -> memref<144x64xf32, #tpu.memory_space<vmem_shared>>
      tpu.enqueue_indirect_dma source(%dma_start3A_828 : memref<144x64xf32, #tpu.memory_space<vmem_shared>>) target(%dma_start3A_822 : memref<50x64xf32, #tpu.memory_space<vmem>>) offsets(%dma_start3A_825 : memref<50xi32, #tpu.memory_space<vmem>>) semaphore(%arg8 : memref<!tpu.dma_semaphore, #tpu.memory_space<semaphore_mem>>)
      %mul3A_829 = arith.constant 8 : i32
      %mul3A_830 = arith.muli %add3A_763, %mul3A_829 : i32
      %add3A_831 = arith.constant 3 : i32
      %add3A_832 = arith.addi %mul3A_830, %add3A_831 : i32
      %dma_start3A_833 = arith.constant 1 : i32
      %dma_start3A_834 = arith.constant 3 : i32
      %dma_start3A_835 = arith.constant 0 : i32
      %dma_start3A_836 = arith.constant 0 : i32
      %dma_start3A_837 = tpu.memref_slice %arg7[%dma_start3A_833, %dma_start3A_834, %dma_start3A_835, %dma_start3A_836] : memref<2x8x50x64xf32, #tpu.memory_space<vmem>> -> memref<1x1x50x64xf32, #tpu.memory_space<vmem>>
      %dma_start3A_838 = tpu.memref_squeeze %dma_start3A_837 : memref<1x1x50x64xf32, #tpu.memory_space<vmem>> -> memref<50x64xf32, #tpu.memory_space<vmem>>
      %dma_start3A_839 = arith.constant 0 : i32
      %dma_start3A_840 = tpu.memref_slice %arg5[%add3A_832, %dma_start3A_839] : memref<512x50xi32, #tpu.memory_space<vmem>> -> memref<1x50xi32, #tpu.memory_space<vmem>>
      %dma_start3A_841 = tpu.memref_squeeze %dma_start3A_840 : memref<1x50xi32, #tpu.memory_space<vmem>> -> memref<50xi32, #tpu.memory_space<vmem>>
      %dma_start3A_842 = arith.constant 0 : i32
      %dma_start3A_843 = arith.constant 0 : i32
      %dma_start3A_844 = tpu.memref_slice %arg6[%dma_start3A_842, %dma_start3A_843] : memref<144x64xf32, #tpu.memory_space<vmem_shared>> -> memref<144x64xf32, #tpu.memory_space<vmem_shared>>
      tpu.enqueue_indirect_dma source(%dma_start3A_844 : memref<144x64xf32, #tpu.memory_space<vmem_shared>>) target(%dma_start3A_838 : memref<50x64xf32, #tpu.memory_space<vmem>>) offsets(%dma_start3A_841 : memref<50xi32, #tpu.memory_space<vmem>>) semaphore(%arg8 : memref<!tpu.dma_semaphore, #tpu.memory_space<semaphore_mem>>)
      %mul3A_845 = arith.constant 8 : i32
      %mul3A_846 = arith.muli %add3A_763, %mul3A_845 : i32
      %add3A_847 = arith.constant 4 : i32
      %add3A_848 = arith.addi %mul3A_846, %add3A_847 : i32
      %dma_start3A_849 = arith.constant 1 : i32
      %dma_start3A_850 = arith.constant 4 : i32
      %dma_start3A_851 = arith.constant 0 : i32
      %dma_start3A_852 = arith.constant 0 : i32
      %dma_start3A_853 = tpu.memref_slice %arg7[%dma_start3A_849, %dma_start3A_850, %dma_start3A_851, %dma_start3A_852] : memref<2x8x50x64xf32, #tpu.memory_space<vmem>> -> memref<1x1x50x64xf32, #tpu.memory_space<vmem>>
      %dma_start3A_854 = tpu.memref_squeeze %dma_start3A_853 : memref<1x1x50x64xf32, #tpu.memory_space<vmem>> -> memref<50x64xf32, #tpu.memory_space<vmem>>
      %dma_start3A_855 = arith.constant 0 : i32
      %dma_start3A_856 = tpu.memref_slice %arg5[%add3A_848, %dma_start3A_855] : memref<512x50xi32, #tpu.memory_space<vmem>> -> memref<1x50xi32, #tpu.memory_space<vmem>>
      %dma_start3A_857 = tpu.memref_squeeze %dma_start3A_856 : memref<1x50xi32, #tpu.memory_space<vmem>> -> memref<50xi32, #tpu.memory_space<vmem>>
      %dma_start3A_858 = arith.constant 0 : i32
      %dma_start3A_859 = arith.constant 0 : i32
      %dma_start3A_860 = tpu.memref_slice %arg6[%dma_start3A_858, %dma_start3A_859] : memref<144x64xf32, #tpu.memory_space<vmem_shared>> -> memref<144x64xf32, #tpu.memory_space<vmem_shared>>
      tpu.enqueue_indirect_dma source(%dma_start3A_860 : memref<144x64xf32, #tpu.memory_space<vmem_shared>>) target(%dma_start3A_854 : memref<50x64xf32, #tpu.memory_space<vmem>>) offsets(%dma_start3A_857 : memref<50xi32, #tpu.memory_space<vmem>>) semaphore(%arg8 : memref<!tpu.dma_semaphore, #tpu.memory_space<semaphore_mem>>)
      %mul3A_861 = arith.constant 8 : i32
      %mul3A_862 = arith.muli %add3A_763, %mul3A_861 : i32
      %add3A_863 = arith.constant 5 : i32
      %add3A_864 = arith.addi %mul3A_862, %add3A_863 : i32
      %dma_start3A_865 = arith.constant 1 : i32
      %dma_start3A_866 = arith.constant 5 : i32
      %dma_start3A_867 = arith.constant 0 : i32
      %dma_start3A_868 = arith.constant 0 : i32
      %dma_start3A_869 = tpu.memref_slice %arg7[%dma_start3A_865, %dma_start3A_866, %dma_start3A_867, %dma_start3A_868] : memref<2x8x50x64xf32, #tpu.memory_space<vmem>> -> memref<1x1x50x64xf32, #tpu.memory_space<vmem>>
      %dma_start3A_870 = tpu.memref_squeeze %dma_start3A_869 : memref<1x1x50x64xf32, #tpu.memory_space<vmem>> -> memref<50x64xf32, #tpu.memory_space<vmem>>
      %dma_start3A_871 = arith.constant 0 : i32
      %dma_start3A_872 = tpu.memref_slice %arg5[%add3A_864, %dma_start3A_871] : memref<512x50xi32, #tpu.memory_space<vmem>> -> memref<1x50xi32, #tpu.memory_space<vmem>>
      %dma_start3A_873 = tpu.memref_squeeze %dma_start3A_872 : memref<1x50xi32, #tpu.memory_space<vmem>> -> memref<50xi32, #tpu.memory_space<vmem>>
      %dma_start3A_874 = arith.constant 0 : i32
      %dma_start3A_875 = arith.constant 0 : i32
      %dma_start3A_876 = tpu.memref_slice %arg6[%dma_start3A_874, %dma_start3A_875] : memref<144x64xf32, #tpu.memory_space<vmem_shared>> -> memref<144x64xf32, #tpu.memory_space<vmem_shared>>
      tpu.enqueue_indirect_dma source(%dma_start3A_876 : memref<144x64xf32, #tpu.memory_space<vmem_shared>>) target(%dma_start3A_870 : memref<50x64xf32, #tpu.memory_space<vmem>>) offsets(%dma_start3A_873 : memref<50xi32, #tpu.memory_space<vmem>>) semaphore(%arg8 : memref<!tpu.dma_semaphore, #tpu.memory_space<semaphore_mem>>)
      %mul3A_877 = arith.constant 8 : i32
      %mul3A_878 = arith.muli %add3A_763, %mul3A_877 : i32
      %add3A_879 = arith.constant 6 : i32
      %add3A_880 = arith.addi %mul3A_878, %add3A_879 : i32
      %dma_start3A_881 = arith.constant 1 : i32
      %dma_start3A_882 = arith.constant 6 : i32
      %dma_start3A_883 = arith.constant 0 : i32
      %dma_start3A_884 = arith.constant 0 : i32
      %dma_start3A_885 = tpu.memref_slice %arg7[%dma_start3A_881, %dma_start3A_882, %dma_start3A_883, %dma_start3A_884] : memref<2x8x50x64xf32, #tpu.memory_space<vmem>> -> memref<1x1x50x64xf32, #tpu.memory_space<vmem>>
      %dma_start3A_886 = tpu.memref_squeeze %dma_start3A_885 : memref<1x1x50x64xf32, #tpu.memory_space<vmem>> -> memref<50x64xf32, #tpu.memory_space<vmem>>
      %dma_start3A_887 = arith.constant 0 : i32
      %dma_start3A_888 = tpu.memref_slice %arg5[%add3A_880, %dma_start3A_887] : memref<512x50xi32, #tpu.memory_space<vmem>> -> memref<1x50xi32, #tpu.memory_space<vmem>>
      %dma_start3A_889 = tpu.memref_squeeze %dma_start3A_888 : memref<1x50xi32, #tpu.memory_space<vmem>> -> memref<50xi32, #tpu.memory_space<vmem>>
      %dma_start3A_890 = arith.constant 0 : i32
      %dma_start3A_891 = arith.constant 0 : i32
      %dma_start3A_892 = tpu.memref_slice %arg6[%dma_start3A_890, %dma_start3A_891] : memref<144x64xf32, #tpu.memory_space<vmem_shared>> -> memref<144x64xf32, #tpu.memory_space<vmem_shared>>
      tpu.enqueue_indirect_dma source(%dma_start3A_892 : memref<144x64xf32, #tpu.memory_space<vmem_shared>>) target(%dma_start3A_886 : memref<50x64xf32, #tpu.memory_space<vmem>>) offsets(%dma_start3A_889 : memref<50xi32, #tpu.memory_space<vmem>>) semaphore(%arg8 : memref<!tpu.dma_semaphore, #tpu.memory_space<semaphore_mem>>)
      %mul3A_893 = arith.constant 8 : i32
      %mul3A_894 = arith.muli %add3A_763, %mul3A_893 : i32
      %add3A_895 = arith.constant 7 : i32
      %add3A_896 = arith.addi %mul3A_894, %add3A_895 : i32
      %dma_start3A_897 = arith.constant 1 : i32
      %dma_start3A_898 = arith.constant 7 : i32
      %dma_start3A_899 = arith.constant 0 : i32
      %dma_start3A_900 = arith.constant 0 : i32
      %dma_start3A_901 = tpu.memref_slice %arg7[%dma_start3A_897, %dma_start3A_898, %dma_start3A_899, %dma_start3A_900] : memref<2x8x50x64xf32, #tpu.memory_space<vmem>> -> memref<1x1x50x64xf32, #tpu.memory_space<vmem>>
      %dma_start3A_902 = tpu.memref_squeeze %dma_start3A_901 : memref<1x1x50x64xf32, #tpu.memory_space<vmem>> -> memref<50x64xf32, #tpu.memory_space<vmem>>
      %dma_start3A_903 = arith.constant 0 : i32
      %dma_start3A_904 = tpu.memref_slice %arg5[%add3A_896, %dma_start3A_903] : memref<512x50xi32, #tpu.memory_space<vmem>> -> memref<1x50xi32, #tpu.memory_space<vmem>>
      %dma_start3A_905 = tpu.memref_squeeze %dma_start3A_904 : memref<1x50xi32, #tpu.memory_space<vmem>> -> memref<50xi32, #tpu.memory_space<vmem>>
      %dma_start3A_906 = arith.constant 0 : i32
      %dma_start3A_907 = arith.constant 0 : i32
      %dma_start3A_908 = tpu.memref_slice %arg6[%dma_start3A_906, %dma_start3A_907] : memref<144x64xf32, #tpu.memory_space<vmem_shared>> -> memref<144x64xf32, #tpu.memory_space<vmem_shared>>
      tpu.enqueue_indirect_dma source(%dma_start3A_908 : memref<144x64xf32, #tpu.memory_space<vmem_shared>>) target(%dma_start3A_902 : memref<50x64xf32, #tpu.memory_space<vmem>>) offsets(%dma_start3A_905 : memref<50xi32, #tpu.memory_space<vmem>>) semaphore(%arg8 : memref<!tpu.dma_semaphore, #tpu.memory_space<semaphore_mem>>)
      %dma_wait3A_909 = arith.constant 1 : i32
      %dma_wait3A_910 = arith.constant 0 : i32
      %dma_wait3A_911 = arith.constant 0 : i32
      %dma_wait3A_912 = arith.constant 0 : i32
      %dma_wait3A_913 = tpu.memref_slice %arg7[%dma_wait3A_909, %dma_wait3A_910, %dma_wait3A_911, %dma_wait3A_912] : memref<2x8x50x64xf32, #tpu.memory_space<vmem>> -> memref<1x1x50x64xf32, #tpu.memory_space<vmem>>
      %dma_wait3A_914 = tpu.memref_squeeze %dma_wait3A_913 : memref<1x1x50x64xf32, #tpu.memory_space<vmem>> -> memref<50x64xf32, #tpu.memory_space<vmem>>
      %dma_wait3A_915 = arith.constant 0 : i32
      %dma_wait3A_916 = tpu.memref_slice %arg5[%add3A_784, %dma_wait3A_915] : memref<512x50xi32, #tpu.memory_space<vmem>> -> memref<1x50xi32, #tpu.memory_space<vmem>>
      %dma_wait3A_917 = tpu.memref_squeeze %dma_wait3A_916 : memref<1x50xi32, #tpu.memory_space<vmem>> -> memref<50xi32, #tpu.memory_space<vmem>>
      %dma_wait3A_918 = arith.constant 0 : i32
      %dma_wait3A_919 = arith.constant 0 : i32
      %dma_wait3A_920 = tpu.memref_slice %arg6[%dma_wait3A_918, %dma_wait3A_919] : memref<144x64xf32, #tpu.memory_space<vmem_shared>> -> memref<144x64xf32, #tpu.memory_space<vmem_shared>>
      tpu.wait_indirect_dma semaphore(%arg8 : memref<!tpu.dma_semaphore, #tpu.memory_space<semaphore_mem>>) src(%dma_wait3A_920 : memref<144x64xf32, #tpu.memory_space<vmem_shared>>) dst(%dma_wait3A_914 : memref<50x64xf32, #tpu.memory_space<vmem>>)
      %dma_wait3A_921 = arith.constant 1 : i32
      %dma_wait3A_922 = arith.constant 1 : i32
      %dma_wait3A_923 = arith.constant 0 : i32
      %dma_wait3A_924 = arith.constant 0 : i32
      %dma_wait3A_925 = tpu.memref_slice %arg7[%dma_wait3A_921, %dma_wait3A_922, %dma_wait3A_923, %dma_wait3A_924] : memref<2x8x50x64xf32, #tpu.memory_space<vmem>> -> memref<1x1x50x64xf32, #tpu.memory_space<vmem>>
      %dma_wait3A_926 = tpu.memref_squeeze %dma_wait3A_925 : memref<1x1x50x64xf32, #tpu.memory_space<vmem>> -> memref<50x64xf32, #tpu.memory_space<vmem>>
      %dma_wait3A_927 = arith.constant 0 : i32
      %dma_wait3A_928 = tpu.memref_slice %arg5[%add3A_800, %dma_wait3A_927] : memref<512x50xi32, #tpu.memory_space<vmem>> -> memref<1x50xi32, #tpu.memory_space<vmem>>
      %dma_wait3A_929 = tpu.memref_squeeze %dma_wait3A_928 : memref<1x50xi32, #tpu.memory_space<vmem>> -> memref<50xi32, #tpu.memory_space<vmem>>
      %dma_wait3A_930 = arith.constant 0 : i32
      %dma_wait3A_931 = arith.constant 0 : i32
      %dma_wait3A_932 = tpu.memref_slice %arg6[%dma_wait3A_930, %dma_wait3A_931] : memref<144x64xf32, #tpu.memory_space<vmem_shared>> -> memref<144x64xf32, #tpu.memory_space<vmem_shared>>
      tpu.wait_indirect_dma semaphore(%arg8 : memref<!tpu.dma_semaphore, #tpu.memory_space<semaphore_mem>>) src(%dma_wait3A_932 : memref<144x64xf32, #tpu.memory_space<vmem_shared>>) dst(%dma_wait3A_926 : memref<50x64xf32, #tpu.memory_space<vmem>>)
      %dma_wait3A_933 = arith.constant 1 : i32
      %dma_wait3A_934 = arith.constant 2 : i32
      %dma_wait3A_935 = arith.constant 0 : i32
      %dma_wait3A_936 = arith.constant 0 : i32
      %dma_wait3A_937 = tpu.memref_slice %arg7[%dma_wait3A_933, %dma_wait3A_934, %dma_wait3A_935, %dma_wait3A_936] : memref<2x8x50x64xf32, #tpu.memory_space<vmem>> -> memref<1x1x50x64xf32, #tpu.memory_space<vmem>>
      %dma_wait3A_938 = tpu.memref_squeeze %dma_wait3A_937 : memref<1x1x50x64xf32, #tpu.memory_space<vmem>> -> memref<50x64xf32, #tpu.memory_space<vmem>>
      %dma_wait3A_939 = arith.constant 0 : i32
      %dma_wait3A_940 = tpu.memref_slice %arg5[%add3A_816, %dma_wait3A_939] : memref<512x50xi32, #tpu.memory_space<vmem>> -> memref<1x50xi32, #tpu.memory_space<vmem>>
      %dma_wait3A_941 = tpu.memref_squeeze %dma_wait3A_940 : memref<1x50xi32, #tpu.memory_space<vmem>> -> memref<50xi32, #tpu.memory_space<vmem>>
      %dma_wait3A_942 = arith.constant 0 : i32
      %dma_wait3A_943 = arith.constant 0 : i32
      %dma_wait3A_944 = tpu.memref_slice %arg6[%dma_wait3A_942, %dma_wait3A_943] : memref<144x64xf32, #tpu.memory_space<vmem_shared>> -> memref<144x64xf32, #tpu.memory_space<vmem_shared>>
      tpu.wait_indirect_dma semaphore(%arg8 : memref<!tpu.dma_semaphore, #tpu.memory_space<semaphore_mem>>) src(%dma_wait3A_944 : memref<144x64xf32, #tpu.memory_space<vmem_shared>>) dst(%dma_wait3A_938 : memref<50x64xf32, #tpu.memory_space<vmem>>)
      %dma_wait3A_945 = arith.constant 1 : i32
      %dma_wait3A_946 = arith.constant 3 : i32
      %dma_wait3A_947 = arith.constant 0 : i32
      %dma_wait3A_948 = arith.constant 0 : i32
      %dma_wait3A_949 = tpu.memref_slice %arg7[%dma_wait3A_945, %dma_wait3A_946, %dma_wait3A_947, %dma_wait3A_948] : memref<2x8x50x64xf32, #tpu.memory_space<vmem>> -> memref<1x1x50x64xf32, #tpu.memory_space<vmem>>
      %dma_wait3A_950 = tpu.memref_squeeze %dma_wait3A_949 : memref<1x1x50x64xf32, #tpu.memory_space<vmem>> -> memref<50x64xf32, #tpu.memory_space<vmem>>
      %dma_wait3A_951 = arith.constant 0 : i32
      %dma_wait3A_952 = tpu.memref_slice %arg5[%add3A_832, %dma_wait3A_951] : memref<512x50xi32, #tpu.memory_space<vmem>> -> memref<1x50xi32, #tpu.memory_space<vmem>>
      %dma_wait3A_953 = tpu.memref_squeeze %dma_wait3A_952 : memref<1x50xi32, #tpu.memory_space<vmem>> -> memref<50xi32, #tpu.memory_space<vmem>>
      %dma_wait3A_954 = arith.constant 0 : i32
      %dma_wait3A_955 = arith.constant 0 : i32
      %dma_wait3A_956 = tpu.memref_slice %arg6[%dma_wait3A_954, %dma_wait3A_955] : memref<144x64xf32, #tpu.memory_space<vmem_shared>> -> memref<144x64xf32, #tpu.memory_space<vmem_shared>>
      tpu.wait_indirect_dma semaphore(%arg8 : memref<!tpu.dma_semaphore, #tpu.memory_space<semaphore_mem>>) src(%dma_wait3A_956 : memref<144x64xf32, #tpu.memory_space<vmem_shared>>) dst(%dma_wait3A_950 : memref<50x64xf32, #tpu.memory_space<vmem>>)
      %dma_wait3A_957 = arith.constant 1 : i32
      %dma_wait3A_958 = arith.constant 4 : i32
      %dma_wait3A_959 = arith.constant 0 : i32
      %dma_wait3A_960 = arith.constant 0 : i32
      %dma_wait3A_961 = tpu.memref_slice %arg7[%dma_wait3A_957, %dma_wait3A_958, %dma_wait3A_959, %dma_wait3A_960] : memref<2x8x50x64xf32, #tpu.memory_space<vmem>> -> memref<1x1x50x64xf32, #tpu.memory_space<vmem>>
      %dma_wait3A_962 = tpu.memref_squeeze %dma_wait3A_961 : memref<1x1x50x64xf32, #tpu.memory_space<vmem>> -> memref<50x64xf32, #tpu.memory_space<vmem>>
      %dma_wait3A_963 = arith.constant 0 : i32
      %dma_wait3A_964 = tpu.memref_slice %arg5[%add3A_848, %dma_wait3A_963] : memref<512x50xi32, #tpu.memory_space<vmem>> -> memref<1x50xi32, #tpu.memory_space<vmem>>
      %dma_wait3A_965 = tpu.memref_squeeze %dma_wait3A_964 : memref<1x50xi32, #tpu.memory_space<vmem>> -> memref<50xi32, #tpu.memory_space<vmem>>
      %dma_wait3A_966 = arith.constant 0 : i32
      %dma_wait3A_967 = arith.constant 0 : i32
      %dma_wait3A_968 = tpu.memref_slice %arg6[%dma_wait3A_966, %dma_wait3A_967] : memref<144x64xf32, #tpu.memory_space<vmem_shared>> -> memref<144x64xf32, #tpu.memory_space<vmem_shared>>
      tpu.wait_indirect_dma semaphore(%arg8 : memref<!tpu.dma_semaphore, #tpu.memory_space<semaphore_mem>>) src(%dma_wait3A_968 : memref<144x64xf32, #tpu.memory_space<vmem_shared>>) dst(%dma_wait3A_962 : memref<50x64xf32, #tpu.memory_space<vmem>>)
      %dma_wait3A_969 = arith.constant 1 : i32
      %dma_wait3A_970 = arith.constant 5 : i32
      %dma_wait3A_971 = arith.constant 0 : i32
      %dma_wait3A_972 = arith.constant 0 : i32
      %dma_wait3A_973 = tpu.memref_slice %arg7[%dma_wait3A_969, %dma_wait3A_970, %dma_wait3A_971, %dma_wait3A_972] : memref<2x8x50x64xf32, #tpu.memory_space<vmem>> -> memref<1x1x50x64xf32, #tpu.memory_space<vmem>>
      %dma_wait3A_974 = tpu.memref_squeeze %dma_wait3A_973 : memref<1x1x50x64xf32, #tpu.memory_space<vmem>> -> memref<50x64xf32, #tpu.memory_space<vmem>>
      %dma_wait3A_975 = arith.constant 0 : i32
      %dma_wait3A_976 = tpu.memref_slice %arg5[%add3A_864, %dma_wait3A_975] : memref<512x50xi32, #tpu.memory_space<vmem>> -> memref<1x50xi32, #tpu.memory_space<vmem>>
      %dma_wait3A_977 = tpu.memref_squeeze %dma_wait3A_976 : memref<1x50xi32, #tpu.memory_space<vmem>> -> memref<50xi32, #tpu.memory_space<vmem>>
      %dma_wait3A_978 = arith.constant 0 : i32
      %dma_wait3A_979 = arith.constant 0 : i32
      %dma_wait3A_980 = tpu.memref_slice %arg6[%dma_wait3A_978, %dma_wait3A_979] : memref<144x64xf32, #tpu.memory_space<vmem_shared>> -> memref<144x64xf32, #tpu.memory_space<vmem_shared>>
      tpu.wait_indirect_dma semaphore(%arg8 : memref<!tpu.dma_semaphore, #tpu.memory_space<semaphore_mem>>) src(%dma_wait3A_980 : memref<144x64xf32, #tpu.memory_space<vmem_shared>>) dst(%dma_wait3A_974 : memref<50x64xf32, #tpu.memory_space<vmem>>)
      %dma_wait3A_981 = arith.constant 1 : i32
      %dma_wait3A_982 = arith.constant 6 : i32
      %dma_wait3A_983 = arith.constant 0 : i32
      %dma_wait3A_984 = arith.constant 0 : i32
      %dma_wait3A_985 = tpu.memref_slice %arg7[%dma_wait3A_981, %dma_wait3A_982, %dma_wait3A_983, %dma_wait3A_984] : memref<2x8x50x64xf32, #tpu.memory_space<vmem>> -> memref<1x1x50x64xf32, #tpu.memory_space<vmem>>
      %dma_wait3A_986 = tpu.memref_squeeze %dma_wait3A_985 : memref<1x1x50x64xf32, #tpu.memory_space<vmem>> -> memref<50x64xf32, #tpu.memory_space<vmem>>
      %dma_wait3A_987 = arith.constant 0 : i32
      %dma_wait3A_988 = tpu.memref_slice %arg5[%add3A_880, %dma_wait3A_987] : memref<512x50xi32, #tpu.memory_space<vmem>> -> memref<1x50xi32, #tpu.memory_space<vmem>>
      %dma_wait3A_989 = tpu.memref_squeeze %dma_wait3A_988 : memref<1x50xi32, #tpu.memory_space<vmem>> -> memref<50xi32, #tpu.memory_space<vmem>>
      %dma_wait3A_990 = arith.constant 0 : i32
      %dma_wait3A_991 = arith.constant 0 : i32
      %dma_wait3A_992 = tpu.memref_slice %arg6[%dma_wait3A_990, %dma_wait3A_991] : memref<144x64xf32, #tpu.memory_space<vmem_shared>> -> memref<144x64xf32, #tpu.memory_space<vmem_shared>>
      tpu.wait_indirect_dma semaphore(%arg8 : memref<!tpu.dma_semaphore, #tpu.memory_space<semaphore_mem>>) src(%dma_wait3A_992 : memref<144x64xf32, #tpu.memory_space<vmem_shared>>) dst(%dma_wait3A_986 : memref<50x64xf32, #tpu.memory_space<vmem>>)
      %dma_wait3A_993 = arith.constant 1 : i32
      %dma_wait3A_994 = arith.constant 7 : i32
      %dma_wait3A_995 = arith.constant 0 : i32
      %dma_wait3A_996 = arith.constant 0 : i32
      %dma_wait3A_997 = tpu.memref_slice %arg7[%dma_wait3A_993, %dma_wait3A_994, %dma_wait3A_995, %dma_wait3A_996] : memref<2x8x50x64xf32, #tpu.memory_space<vmem>> -> memref<1x1x50x64xf32, #tpu.memory_space<vmem>>
      %dma_wait3A_998 = tpu.memref_squeeze %dma_wait3A_997 : memref<1x1x50x64xf32, #tpu.memory_space<vmem>> -> memref<50x64xf32, #tpu.memory_space<vmem>>
      %dma_wait3A_999 = arith.constant 0 : i32
      %dma_wait3A_1000 = tpu.memref_slice %arg5[%add3A_896, %dma_wait3A_999] : memref<512x50xi32, #tpu.memory_space<vmem>> -> memref<1x50xi32, #tpu.memory_space<vmem>>
      %dma_wait3A_1001 = tpu.memref_squeeze %dma_wait3A_1000 : memref<1x50xi32, #tpu.memory_space<vmem>> -> memref<50xi32, #tpu.memory_space<vmem>>
      %dma_wait3A_1002 = arith.constant 0 : i32
      %dma_wait3A_1003 = arith.constant 0 : i32
      %dma_wait3A_1004 = tpu.memref_slice %arg6[%dma_wait3A_1002, %dma_wait3A_1003] : memref<144x64xf32, #tpu.memory_space<vmem_shared>> -> memref<144x64xf32, #tpu.memory_space<vmem_shared>>
      tpu.wait_indirect_dma semaphore(%arg8 : memref<!tpu.dma_semaphore, #tpu.memory_space<semaphore_mem>>) src(%dma_wait3A_1004 : memref<144x64xf32, #tpu.memory_space<vmem_shared>>) dst(%dma_wait3A_998 : memref<50x64xf32, #tpu.memory_space<vmem>>)
      %mul3A_1005 = arith.constant 8 : i32
      %mul3A_1006 = arith.muli %add3A_763, %mul3A_1005 : i32
      %add3A_1007 = arith.addi %mul3A_2, %mul3A_1006 : i32
      %dma_start3A_1008 = arith.constant 1 : i32
      %dma_start3A_1009 = arith.constant 0 : i32
      %dma_start3A_1010 = arith.constant 0 : i32
      %dma_start3A_1011 = arith.constant 0 : i32
      %dma_start3A_1012 = tpu.memref_slice %arg7[%dma_start3A_1008, %dma_start3A_1009, %dma_start3A_1010, %dma_start3A_1011] : memref<2x8x50x64xf32, #tpu.memory_space<vmem>> -> memref<1x8x50x64xf32, #tpu.memory_space<vmem>>
      %dma_start3A_1013 = tpu.memref_squeeze %dma_start3A_1012 : memref<1x8x50x64xf32, #tpu.memory_space<vmem>> -> memref<8x50x64xf32, #tpu.memory_space<vmem>>
      %dma_start3A_1014 = arith.constant 0 : i32
      %dma_start3A_1015 = arith.constant 0 : i32
      %dma_start3A_1016 = tpu.memref_slice %arg4[%add3A_1007, %dma_start3A_1014, %dma_start3A_1015] : memref<16384x50x64xf32, #tpu.memory_space<hbm>> -> memref<8x50x64xf32, #tpu.memory_space<hbm>>
      %dma_start3A_1017 = arith.constant 0 : i32
      %dma_start3A_1018 = arith.constant 0 : i32
      %dma_start3A_1019 = tpu.memref_slice %arg4[%add3A_1007, %dma_start3A_1017, %dma_start3A_1018] : memref<16384x50x64xf32, #tpu.memory_space<hbm>> -> memref<8x50x64xf32, #tpu.memory_space<hbm>>
      %dma_start3A_1020 = arith.constant 0 : i32
      %dma_start3A_1021 = arith.constant 0 : i32
      %dma_start3A_1022 = arith.constant 0 : i32
      %dma_start3A_1023 = tpu.memref_slice %arg7[%dma_start3A_1008, %dma_start3A_1020, %dma_start3A_1021, %dma_start3A_1022] : memref<2x8x50x64xf32, #tpu.memory_space<vmem>> -> memref<1x8x50x64xf32, #tpu.memory_space<vmem>>
      %dma_start3A_1024 = tpu.memref_squeeze %dma_start3A_1023 : memref<1x8x50x64xf32, #tpu.memory_space<vmem>> -> memref<8x50x64xf32, #tpu.memory_space<vmem>>
      tpu.enqueue_dma source(%dma_start3A_1024 : memref<8x50x64xf32, #tpu.memory_space<vmem>>) target(%dma_start3A_1019 : memref<8x50x64xf32, #tpu.memory_space<hbm>>) target_semaphore(%arg10 : memref<!tpu.dma_semaphore, #tpu.memory_space<semaphore_mem>>)
    }
    %scan3A_459 = arith.constant 31 : i32
    %dma_wait3A_460 = arith.constant 0 : i32
    %dma_wait3A_461 = arith.constant 0 : i32
    %dma_wait3A_462 = arith.constant 0 : i32
    %dma_wait3A_463 = arith.constant 0 : i32
    %dma_wait3A_464 = tpu.memref_slice %arg7[%dma_wait3A_460, %dma_wait3A_461, %dma_wait3A_462, %dma_wait3A_463] : memref<2x8x50x64xf32, #tpu.memory_space<vmem>> -> memref<1x8x50x64xf32, #tpu.memory_space<vmem>>
    %dma_wait3A_465 = tpu.memref_squeeze %dma_wait3A_464 : memref<1x8x50x64xf32, #tpu.memory_space<vmem>> -> memref<8x50x64xf32, #tpu.memory_space<vmem>>
    %dma_wait3A_466 = arith.constant 0 : i32
    %dma_wait3A_467 = arith.constant 0 : i32
    %dma_wait3A_468 = tpu.memref_slice %arg4[%mul3A_2, %dma_wait3A_466, %dma_wait3A_467] : memref<16384x50x64xf32, #tpu.memory_space<hbm>> -> memref<8x50x64xf32, #tpu.memory_space<hbm>>
    %dma_wait3A_469 = arith.constant 0 : i32
    %dma_wait3A_470 = arith.constant 0 : i32
    %dma_wait3A_471 = tpu.memref_slice %arg4[%mul3A_2, %dma_wait3A_469, %dma_wait3A_470] : memref<16384x50x64xf32, #tpu.memory_space<hbm>> -> memref<8x50x64xf32, #tpu.memory_space<hbm>>
    %dma_wait3A_472 = arith.constant 0 : i32
    %dma_wait3A_473 = arith.constant 0 : i32
    %dma_wait3A_474 = arith.constant 0 : i32
    %dma_wait3A_475 = tpu.memref_slice %arg7[%dma_wait3A_460, %dma_wait3A_472, %dma_wait3A_473, %dma_wait3A_474] : memref<2x8x50x64xf32, #tpu.memory_space<vmem>> -> memref<1x8x50x64xf32, #tpu.memory_space<vmem>>
    %dma_wait3A_476 = tpu.memref_squeeze %dma_wait3A_475 : memref<1x8x50x64xf32, #tpu.memory_space<vmem>> -> memref<8x50x64xf32, #tpu.memory_space<vmem>>
    tpu.wait_dma2 semaphore(%arg9 : memref<!tpu.dma_semaphore, #tpu.memory_space<semaphore_mem>>) src(%dma_wait3A_476 : memref<8x50x64xf32, #tpu.memory_space<vmem>>) dst(%dma_wait3A_471 : memref<8x50x64xf32, #tpu.memory_space<hbm>>)
    %dma_wait3A_477 = arith.constant 1 : i32
    %dma_wait3A_478 = arith.constant 0 : i32
    %dma_wait3A_479 = arith.constant 0 : i32
    %dma_wait3A_480 = arith.constant 0 : i32
    %dma_wait3A_481 = tpu.memref_slice %arg7[%dma_wait3A_477, %dma_wait3A_478, %dma_wait3A_479, %dma_wait3A_480] : memref<2x8x50x64xf32, #tpu.memory_space<vmem>> -> memref<1x8x50x64xf32, #tpu.memory_space<vmem>>
    %dma_wait3A_482 = tpu.memref_squeeze %dma_wait3A_481 : memref<1x8x50x64xf32, #tpu.memory_space<vmem>> -> memref<8x50x64xf32, #tpu.memory_space<vmem>>
    %dma_wait3A_483 = arith.constant 0 : i32
    %dma_wait3A_484 = arith.constant 0 : i32
    %dma_wait3A_485 = tpu.memref_slice %arg4[%mul3A_2, %dma_wait3A_483, %dma_wait3A_484] : memref<16384x50x64xf32, #tpu.memory_space<hbm>> -> memref<8x50x64xf32, #tpu.memory_space<hbm>>
    %dma_wait3A_486 = arith.constant 0 : i32
    %dma_wait3A_487 = arith.constant 0 : i32
    %dma_wait3A_488 = tpu.memref_slice %arg4[%mul3A_2, %dma_wait3A_486, %dma_wait3A_487] : memref<16384x50x64xf32, #tpu.memory_space<hbm>> -> memref<8x50x64xf32, #tpu.memory_space<hbm>>
    %dma_wait3A_489 = arith.constant 0 : i32
    %dma_wait3A_490 = arith.constant 0 : i32
    %dma_wait3A_491 = arith.constant 0 : i32
    %dma_wait3A_492 = tpu.memref_slice %arg7[%dma_wait3A_477, %dma_wait3A_489, %dma_wait3A_490, %dma_wait3A_491] : memref<2x8x50x64xf32, #tpu.memory_space<vmem>> -> memref<1x8x50x64xf32, #tpu.memory_space<vmem>>
    %dma_wait3A_493 = tpu.memref_squeeze %dma_wait3A_492 : memref<1x8x50x64xf32, #tpu.memory_space<vmem>> -> memref<8x50x64xf32, #tpu.memory_space<vmem>>
    tpu.wait_dma2 semaphore(%arg10 : memref<!tpu.dma_semaphore, #tpu.memory_space<semaphore_mem>>) src(%dma_wait3A_493 : memref<8x50x64xf32, #tpu.memory_space<vmem>>) dst(%dma_wait3A_488 : memref<8x50x64xf32, #tpu.memory_space<hbm>>)
    return
  }
}

</mosaic_0001>

<sc_bundles>
// kernel: kernel.3.cloned.1.call-start
scs
__scs_entry_jumppad:
0x0: {  	(pc) =	sbr.rel $0x88, $3  }
0x1: {  	(tag) =	ssettag $0x0;
	lr =	simm.s32 $0x1  }
0x2: {  	[smem:$0x3F9F] =	sst lr;
	_ =	strace $0xD0000000  }
0x3: {  	_ = 	snop  }
0x4: {  	_ = 	snop  }
0x5: {  	_ = 	snop  }
0x6: {  	_ = 	snop  }
0x7: {  	_ = 	snop  }
__scs_overlays_trampoline_lowered:
0x8: {  	[smem:$0x3FAE] =	sst s0  }
0x9: {  	[smem:$0x3FAF] =	sst s1  }
0xa: {  	[smem:$0x3FB0] =	sst s2  }
0xb: {  	[smem:$0x3FB1] =	sst s3  }
0xc: {  	[smem:$0x3FB2] =	sst s4  }
0xd: {  	[smem:$0x3FB3] =	sst s5  }
0xe: {  	[smem:$0x3FB4] =	sst s6  }
0xf: {  	[smem:$0x3FB5] =	sst s7  }
0x10: {  	[smem:$0x3FB6] =	sst s8  }
0x11: {  	[smem:$0x3FB7] =	sst s9;
	s0 =	simm.s32 @!p0 $0x0  }
0x12: {  	s1 =	sld [smem:$0x3F9D];
	s0 =	simm.s32 @p0 $0x1  }
0x13: {  	[smem:$0x3FB8] =	sst s0;
	s0 =	simm.s32 @!p1 $0x0  }
0x14: {  	s2 =	sld [smem:$0x3F9C];
	s0 =	simm.s32 @p1 $0x1  }
0x15: {  	[smem:$0x3FB9] =	sst s0;
	s0 =	simm.s32 @!p2 $0x0  }
0x16: {  	s3 =	sld [smem:$0x3FDB];
	s0 =	simm.s32 @p2 $0x1  }
0x17: {  	s4 =	simm.s32 $0x1BF5;
	[smem:$0x3FBB] =	sst s0  }
0x18: {  	s0 =	sld [smem:$0x3F9E];
	_ =	swait.ge [sflag:s4], $0x0  }
0x19: {  	s7 =	sld [smem:$0x3F9F]  }
0x1a: {  	s8 =	sadd.s32 $0xFFFFE003, lr  }
0x1b: {  	s9 =	sadd.s32 $0xFFFFFEF7, lr;
	s5 =	simm.s32 $0xFFFFFFFF;
	p2 =	slt.u32 s8, $0xFFFFF086  }
0x1c: {  	p1 =	slt.u32 s9, $0xF7A;
	s5 =	simm.s32 @!p2 $0x0  }
0x1d: {  	s5 =	simm.s32 @p1 $0x1;
	p0 =	seq.s32 s7, s2  }
0x1e: {  	s7 =	smul.u32 @!p0 $0xF7A, s2;
	p2 =	seq.s32 @!p0 s5, $0x0  }
0x1f: {  	s9 =	smul.u32 $0xF7A, s1;
	s8 =	simm.s32 @!p0 $0x1BF5;
	p2 =	por !p2, p0  }
0x20: {  	[sflag:s8] =	ssyncset.s32 @!p0 $0xFFFFF086;
	s6 =	sadd.s32 @!p0 s3, s7;
	s7 =	simm.s32 @!p0 $0x108  }
0x21: {  	s3 =	sadd.s32 s3, s9;
	s6 =	sadd.s32 @!p0 $0x88, s6;
	s7 =	simm.s32 @p2 $0x1082  }
0x22: {  	[simem:s7], [sflag:s8] =	dma.local @!p0 [hbm:s6], $0xF7A  }
0x23: {  	s9 =	sor.u32 $0xD0000000, s2;
	s6 =	simm.s32 $0x108;
	_ =	swait.ge @!p0 [sflag:s8], $0x0  }
0x24: {  	s3 =	sadd.s32 $0x88, s3;
	s6 =	simm.s32 @!p1 $0x1082;
	[sflag:s4] =	ssyncset.s32 $0xFFFFF086  }
0x25: {  	[simem:s6], [sflag:s4] =	dma.local [hbm:s3], $0xF7A  }
0x26: {  	[smem:$0x3F9F] =	sst s1;
	(tag) =	ssettag s2;
	_ =	strace s9  }
0x27: {  	s1 =	sld [smem:$0x3FAF]  }
0x28: {  	s2 =	sld [smem:$0x3FB0]  }
0x29: {  	s4 =	sld [smem:$0x3FB2]  }
0x2a: {  	p0 =	seq.s32 s5, $0x0;
	s5 =	sld [smem:$0x3FB3]  }
0x2b: {  	s6 =	sld [smem:$0x3FB4]  }
0x2c: {  	s7 =	sld [smem:$0x3FB5]  }
0x2d: {  	s3 =	simm.s32 $0x108;
	s8 =	sld [smem:$0x3FB6]  }
0x2e: {  	s3 =	simm.s32 @!p0 $0x1082;
	s9 =	sld [smem:$0x3FB7]  }
0x2f: {  	lr =	sadd.s32 s0, s3;
	s0 =	sld [smem:$0x3FAE]  }
0x30: {  	s3 =	sld [smem:$0x3FB1]  }
0x31: {  	[smem:$0x3FBA] =	sst s10  }
0x32: {  	s10 =	sld [smem:$0x3FB8];
	_ =	sdelay $0x3  }
0x33: {  	p0 =	seq.s32 s10, $0x1;
	s10 =	sld [smem:$0x3FBA];
	_ =	sdelay $0x3  }
0x34: {  	[smem:$0x3FBA] =	sst s10  }
0x35: {  	s10 =	sld [smem:$0x3FB9];
	_ =	sdelay $0x3  }
0x36: {  	p1 =	seq.s32 s10, $0x1;
	s10 =	sld [smem:$0x3FBA];
	_ =	sdelay $0x3  }
0x37: {  	[smem:$0x3FBA] =	sst s10  }
0x38: {  	s10 =	sld [smem:$0x3FBB]  }
0x39: {  	_ = 	snop;
	(pc) =	sbr.ind lr, $3  }
0x3a: {  	_ = 	snop  }
0x3b: {  	_ = 	snop  }
0x3c: {  	p2 =	seq.s32 s10, $0x1;
	s10 =	sld [smem:$0x3FBA]  }
0x3d: {  	_ =	shalt  }
0x3e: {  	_ =	shalt  }
0x3f: {  	_ =	shalt  }
0x40: {  	_ =	shalt  }
0x41: {  	_ =	shalt  }
0x42: {  	_ =	shalt  }
0x43: {  	_ =	shalt  }
0x44: {  	_ =	shalt  }
0x45: {  	_ =	shalt  }
0x46: {  	_ =	shalt  }
0x47: {  	_ =	shalt  }
0x48: {  	_ =	shalt  }
0x49: {  	_ =	shalt  }
0x4a: {  	_ =	shalt  }
0x4b: {  	_ =	shalt  }
0x4c: {  	_ =	shalt  }
0x4d: {  	_ =	shalt  }
0x4e: {  	_ =	shalt  }
0x4f: {  	_ =	shalt  }
0x50: {  	_ =	shalt  }
0x51: {  	_ =	shalt  }
0x52: {  	_ =	shalt  }
0x53: {  	_ =	shalt  }
0x54: {  	_ =	shalt  }
0x55: {  	_ =	shalt  }
0x56: {  	_ =	shalt  }
0x57: {  	_ =	shalt  }
0x58: {  	_ =	shalt  }
0x59: {  	_ =	shalt  }
0x5a: {  	_ =	shalt  }
0x5b: {  	_ =	shalt  }
0x5c: {  	_ =	shalt  }
0x5d: {  	_ =	shalt  }
0x5e: {  	_ =	shalt  }
0x5f: {  	_ =	shalt  }
0x60: {  	_ =	shalt  }
0x61: {  	_ =	shalt  }
0x62: {  	_ =	shalt  }
0x63: {  	_ =	shalt  }
0x64: {  	_ =	shalt  }
0x65: {  	_ =	shalt  }
0x66: {  	_ =	shalt  }
0x67: {  	_ =	shalt  }
0x68: {  	_ =	shalt  }
0x69: {  	_ =	shalt  }
0x6a: {  	_ =	shalt  }
0x6b: {  	_ =	shalt  }
0x6c: {  	_ =	shalt  }
0x6d: {  	_ =	shalt  }
0x6e: {  	_ =	shalt  }
0x6f: {  	_ =	shalt  }
0x70: {  	_ =	shalt  }
0x71: {  	_ =	shalt  }
0x72: {  	_ =	shalt  }
0x73: {  	_ =	shalt  }
0x74: {  	_ =	shalt  }
0x75: {  	_ =	shalt  }
0x76: {  	_ =	shalt  }
0x77: {  	_ =	shalt  }
0x78: {  	_ =	shalt  }
0x79: {  	_ =	shalt  }
0x7a: {  	_ =	shalt  }
0x7b: {  	_ =	shalt  }
0x7c: {  	_ =	shalt  }
0x7d: {  	_ =	shalt  }
0x7e: {  	_ =	shalt  }
0x7f: {  	_ =	shalt  }
0x80: {  	_ =	shalt  }
0x81: {  	_ =	shalt  }
0x82: {  	_ =	shalt  }
0x83: {  	_ =	shalt  }
0x84: {  	_ =	shalt  }
0x85: {  	_ =	shalt  }
0x86: {  	_ =	shalt  }
0x87: {  	_ =	shalt  }
.Lfunc_end0:
.L_simem_size_0:
called_computation.1_lowered:
.L_overlay_start_0:
0x88: {  	s2 =	sld [smem:$0x3FD9]  }
0x89: {  	s3 =	sld [smem:$0x3FFE];
	_ =	sdelay $0x1  }
0x8a: {  	s1 =	srdreg.scid  }
0x8b: {  	s0 =	sand.u32 $0x1, s1  }
0x8c: {  	s17 =	sshll.u32 s0, $0xA;
	s2 =	sadd.s32 s3, s2  }
0x8d: {  	s2 =	sadd.s32 s2, s17  }
0x8e: {  	[smem:$0x3FC6] =	sst s2  }
0x8f: {  	_ = 	snop  }
0x90: {  	s2 =	sld [smem:$0x3FD0];
	(tm) =	ssettm $0x1  }
0x91: {  	s18 =	sld [smem:$0x3FFB];
	_ =	sdelay $0x3  }
0x92: {  	_ =	strace s18  }
0x93: {  	s3 =	sld [smem:$0x3FFC];
	_ =	sdelay $0x3  }
0x94: {  	_ =	strace s3  }
0x95: {  	s3 =	sld [smem:$0x3FFD];
	_ =	sdelay $0x3  }
0x96: {  	_ =	strace s3  }
0x97: {  	_ =	strace $0x8FFFFFFF  }
0x98: {  	s19 =	sld [smem:$0x3FDB];
	_ =	sdelay $0x1  }
0x99: {  	s4 =	simm.s32 $_scs_section_size  }
0x9a: {  	s5 =	simm.s32 $_size__tile_overlayer_lowered;
	s6 =	simm.s32 $_tile_overlayer_lowered  }
0x9b: {  	s22 =	simm.s32 $0x1BFF;
	s21 =	sshll.u32 s6, $0x1;
	s3 =	sadd.s32 s4, s19  }
0x9c: {  	s7 =	simm.s32 $0x0;
	s20 =	sshll.u32 s5, $0x1;
	s5 =	sadd.s32 s21, s3  }
0x9d: {  	[timem:s7], [sflag:s22] =	dma.local [hbm:s5], s20  }
0x9e: {  	_ =	swait.ge [sflag:s22], s20  }
0x9f: {  	s4 =	ssub.s32 $0x0, s20;
	[sflag:s22] =	ssyncset.done $0x0  }
0xa0: {  	[sflag:s22] =	ssyncadd.s32 s4;
	_ =	sdelay $0x1  }
0xa1: {  	s23 =	simm.s32 $0x1B8B  }
0xa2: {  	_ =	swait.ge [sflag:s23], $0x1  }
0xa3: {  	[sflag:s23] =	ssyncset.done $0x0  }
0xa4: {  	s25 =	simm.s32 $0x1B8E;
	s24 =	sld [smem:$0x3FFE];
	[sflag:s23] =	ssyncadd.s32 $0xFFFFFFFF  }
0xa5: {  	s26 =	simm.s32 $execute0_lowered;
	[smem:$0x3FD2] =	sst s25  }
0xa6: {  	s5 =	sshll.u32 s26, $0x1;
	_ =	strace $0x80000046;
	[dreg:$0x1] =	wrdreg $0xFFFFFFFF  }
0xa7: {  	s28 =	simm.s32 $_size_execute0_lowered;
	s3 =	sadd.s32 s3, s5;
	[dreg:$0x0] =	wrdreg $0x0  }
0xa8: {  	s5 =	sshll.u32 s28, $0x1;
	[dreg:$0x2] =	wrdreg s3  }
0xa9: {  	[dreg:$0x3] =	wrdreg s5  }
0xaa: {  	[dreg:$0x4] =	wrdreg $0xC0  }
0xab: {  	_ =	task [dreg:s7], $0x5FFFF  }
0xac: {  	[dreg:$0x1] =	wrdreg $0xFFFFFFFF  }
0xad: {  	[dreg:$0x0] =	wrdreg $0x60  }
0xae: {  	[dreg:$0x2] =	wrdreg s24  }
0xaf: {  	[dreg:$0x3] =	wrdreg s2  }
0xb0: {  	[dreg:$0x4] =	wrdreg $0x70000  }
0xb1: {  	[dreg:$0x5] =	wrdreg $0x9  }
0xb2: {  	_ =	task.clear_ibuf [dreg:s7], $0x6FFFF;
	_ =	strace $0x90000046  }
0xb3: {  	s29 =	simm.s32 $0x9;
	_ =	strace $0x80000048  }
0xb4: {  	_ =	swait.ge [sflag:s29], $0x1  }
0xb5: {  	[sflag:s29] =	ssyncadd.s32 $0xFFFFFFFF  }
0xb6: {  	_ =	strace $0x90000048  }
0xb7: {  	_ =	sfence  }
0xb8: {  	s30 =	sld [smem:$0x0];
	_ =	sdelay $0x2  }
0xb9: {  	s31 =	sshll.u32 s1, $0xD;
	s1 =	sshrl.u32 s1, $0x2  }
0xba: {  	s3 =	sand.u32 $0x4000, s31;
	s1 =	sadd.s32 s1, s30  }
0xbb: {  	s0 =	sor.u32 s3, s0;
	s1 =	sshll.u32 s1, $0x11  }
0xbc: {  	s0 =	sor.u32 s1, s0  }
0xbd: {  	s0 =	sadd.s32 $0x8F2B, s0  }
0xbe: {  	[sflag:s0] =	ssyncadd.remote.s32 $0x1  }
0xbf: {  	_ =	sfence.sel $0xFFFF  }
0xc0: {  	[dreg:$0x0] =	wrdreg $0xFFFFFFFF;
	(pc) =	sbr.abs _section_cstart, $3  }
0xc1: {  	[dreg:$0x1] =	wrdreg $0xFFFFFFFF  }
0xc2: {  	_ =	task.clear_ibuf [dreg:s7], $0x2FFFF;
	_ =	strace $0x9FFFFFFF  }
0xc3: {  	(tm) =	ssettm $0x7FFFFFFF  }
tec
execute0_lowered:
.L_overlay_start_1:
0x0: {  	(tag) =	ssettag $0x1  }
0x1: {  	s0 =	rddreg [dreg:$0x0];
	s1 =	srdreg.scid  }
0x2: {  	s4 =	rddreg [dreg:$0x1];
	s10 =	stileid.u32  }
0x3: {  	s2 =	rddreg [dreg:$0x2];
	s3 =	simm.s32 $0x0;
	s13 =	simm.s32 $0x32  }
0x4: {  	s14 =	simm.s32 $0x7240;
	s16 =	simm.s32 $0x7EC0;
	s18 =	simm.s32 $0x8B40  }
0x5: {  	s20 =	simm.s32 $0x97C0;
	s22 =	simm.s32 $0xA440;
	s29 =	simm.s32 $0xC9C0  }
0x6: {  	s30 =	simm.s32 $0x1;
	s15 =	simm.s32 $0xE2C0;
	s19 =	simm.s32 $0xEF40  }
0x7: {  	s23 =	simm.s32 $0xFBC0;
	s28 =	simm.s32 $0x10840;
	s21 =	simm.s32 $0x12140  }
0x8: {  	s31 =	simm.s32 $0x12DC0;
	s17 =	simm.s32 $0x2;
	s1 =	sand.u32 $0x1, s1  }
0x9: {  	s5 =	sshll.u32 s10, $0xA;
	[smem:$0x7FF] =	sst s3;
	s6 =	sshll.u32 s1, $0x9  }
0xa: {  	s8 =	smul.u32 $0x64000, s10;
	s26 =	sshll.u32 s10, $0x6;
	s5 =	sor.u32 s6, s5  }
0xb: {  	s10 =	simm.s32 $0x4;
	s12 =	sshrl.u32 s2, $0x3;
	s6 =	smul.u32 $0x7, s5  }
0xc: {  	_ =	strace $0x80000047;
	s7 =	ssub.s32 $0x2, s1;
	s5 =	smul.u32 $0x190, s5  }
0xd: {  	s1 =	smul.u32 $0x32000, s1;
	s24 =	sshrl.u32 s7, $0x1;
	s6 =	sadd.s32 s6, s0  }
0xe: {  	s0 =	sadd.s32 $0x800, s0;
	s5 =	sadd.s32 s4, s5;
	s4 =	sadd.s32 s8, s4  }
0xf: {  	[dreg:$0x4] =	wrdreg s0;
	s0 =	ssub.s32 s7, s24;
	s6 =	sadd.s32 $0xE00, s6  }
0x10: {  	s25 =	sadd.s32 $0xC80, s5;
	s1 =	sadd.s32 s1, s4;
	[dreg:$0x5] =	wrdreg s6  }
0x11: {  	s24 =	simm.s32 $0xB0C0;
	s4 =	simm.s32 $0x0;
	[dreg:$0x6] =	wrdreg s25  }
0x12: {  	s0 =	smax.u32 s0, $0x1;
	s9 =	sadd.s32 $0x1900, s1;
	s1 =	simm.s32 $0xD640  }
0x13: {  	s25 =	simm.s32 $0x3;
	[dreg:$0x7] =	wrdreg s0;
	s0 =	sor.u32 $0x1C04, s26  }
0x14: {  	s26 =	simm.s32 $0xBD40;
	[dreg:$0x8] =	wrdreg s0;
	s0 =	simm.s32 $0x114C0  }
.LBB2_1:
0x15: {  	s6 =	rddreg [dreg:$0x5]  }
0x16: {  	[tilespmem:s3], [sflag:$0x4] =	stream.linear.gather [hbm4b:s6+s3], $0x7000, $0x38;
	[tilespmem:$0x13A40] =	vst v63  }
0x17: {  	_ =	swait.ge [sflag:s10], $0x7000  }
0x18: {  	[sflag:s10] =	ssyncset.done $0x0;
	s11 =	rddreg [dreg:$0x4]  }
0x19: {  	s7 =	rddreg [dreg:$0x8];
	[sflag:s10] =	ssyncadd.s32 $0xFFFF9000  }
0x1a: {  	[spmem:s12], [sflag:s7] =	dma.local [hbm:s11], $0x480  }
0x1b: {  	_ =	swait.ge [sflag:s10], $0x480  }
0x1c: {  	[sflag:s10] =	ssyncset.done $0x0  }
0x1d: {  	[sflag:s10] =	ssyncadd.s32 $0xFFFFFB80  }
0x1e: {  	[tilespmem:s14], [sflag:$0x1] =	stream.indirect.gather [spmem:s2], $0x40, s3, s13, $0xb8;
	[tilespmem:$0x13A40] =	vst v63  }
0x1f: {  	s8 =	simm.s32 $0x38  }
0x20: {  	[tilespmem:s16], [sflag:$0x1] =	stream.indirect.gather [spmem:s2], $0x40, s8, s13, $0xb8;
	[tilespmem:$0x13A40] =	vst v63  }
0x21: {  	s11 =	simm.s32 $0x70  }
0x22: {  	[tilespmem:s18], [sflag:$0x1] =	stream.indirect.gather [spmem:s2], $0x40, s11, s13, $0xb8;
	[tilespmem:$0x13A40] =	vst v63  }
0x23: {  	s7 =	simm.s32 $0xA8  }
0x24: {  	[tilespmem:s20], [sflag:$0x1] =	stream.indirect.gather [spmem:s2], $0x40, s7, s13, $0xb8;
	[tilespmem:$0x13A40] =	vst v63  }
0x25: {  	s8 =	simm.s32 $0xE0  }
0x26: {  	[tilespmem:s22], [sflag:$0x1] =	stream.indirect.gather [spmem:s2], $0x40, s8, s13, $0xb8;
	[tilespmem:$0x13A40] =	vst v63  }
0x27: {  	s11 =	simm.s32 $0x118  }
0x28: {  	[tilespmem:s24], [sflag:$0x1] =	stream.indirect.gather [spmem:s2], $0x40, s11, s13, $0xb8;
	[tilespmem:$0x13A40] =	vst v63  }
0x29: {  	s7 =	simm.s32 $0x150  }
0x2a: {  	[tilespmem:s26], [sflag:$0x1] =	stream.indirect.gather [spmem:s2], $0x40, s7, s13, $0xb8;
	[tilespmem:$0x13A40] =	vst v63  }
0x2b: {  	s8 =	simm.s32 $0x188  }
0x2c: {  	[tilespmem:s29], [sflag:$0x1] =	stream.indirect.gather [spmem:s2], $0x40, s8, s13, $0xb8;
	[tilespmem:$0x13A40] =	vst v63  }
0x2d: {  	_ =	swait.ge [sflag:s30], $0xC80  }
0x2e: {  	[sflag:s30] =	ssyncset.done $0x0  }
0x2f: {  	[sflag:s30] =	ssyncadd.s32 $0xFFFFF380  }
0x30: {  	_ =	swait.ge [sflag:s30], $0xC80  }
0x31: {  	[sflag:s30] =	ssyncset.done $0x0  }
0x32: {  	[sflag:s30] =	ssyncadd.s32 $0xFFFFF380  }
0x33: {  	_ =	swait.ge [sflag:s30], $0xC80  }
0x34: {  	[sflag:s30] =	ssyncset.done $0x0  }
0x35: {  	[sflag:s30] =	ssyncadd.s32 $0xFFFFF380  }
0x36: {  	_ =	swait.ge [sflag:s30], $0xC80  }
0x37: {  	[sflag:s30] =	ssyncset.done $0x0  }
0x38: {  	[sflag:s30] =	ssyncadd.s32 $0xFFFFF380  }
0x39: {  	_ =	swait.ge [sflag:s30], $0xC80  }
0x3a: {  	[sflag:s30] =	ssyncset.done $0x0  }
0x3b: {  	[sflag:s30] =	ssyncadd.s32 $0xFFFFF380  }
0x3c: {  	_ =	swait.ge [sflag:s30], $0xC80  }
0x3d: {  	[sflag:s30] =	ssyncset.done $0x0  }
0x3e: {  	[sflag:s30] =	ssyncadd.s32 $0xFFFFF380  }
0x3f: {  	_ =	swait.ge [sflag:s30], $0xC80  }
0x40: {  	[sflag:s30] =	ssyncset.done $0x0  }
0x41: {  	[sflag:s30] =	ssyncadd.s32 $0xFFFFF380  }
0x42: {  	_ =	swait.ge [sflag:s30], $0xC80  }
0x43: {  	[sflag:s30] =	ssyncset.done $0x0  }
0x44: {  	[sflag:s30] =	ssyncadd.s32 $0xFFFFF380  }
0x45: {  	[hbm4b:s5+s3] =	stream.linear.scatter [tilespmem:s14], [sflag:$0x2], $0x6400, $0x38;
	[tilespmem:$0x13A40] =	vst v63  }
0x46: {  	s11 =	simm.s32 $0x1C0  }
0x47: {  	[tilespmem:s1], [sflag:$0x1] =	stream.indirect.gather [spmem:s2], $0x40, s11, s13, $0xb8;
	[tilespmem:$0x13A40] =	vst v63  }
0x48: {  	s7 =	simm.s32 $0x1F8  }
0x49: {  	[tilespmem:s15], [sflag:$0x1] =	stream.indirect.gather [spmem:s2], $0x40, s7, s13, $0xb8;
	[tilespmem:$0x13A40] =	vst v63  }
0x4a: {  	s8 =	simm.s32 $0x230  }
0x4b: {  	[tilespmem:s19], [sflag:$0x1] =	stream.indirect.gather [spmem:s2], $0x40, s8, s13, $0xb8;
	[tilespmem:$0x13A40] =	vst v63  }
0x4c: {  	s11 =	simm.s32 $0x268  }
0x4d: {  	[tilespmem:s23], [sflag:$0x1] =	stream.indirect.gather [spmem:s2], $0x40, s11, s13, $0xb8;
	[tilespmem:$0x13A40] =	vst v63  }
0x4e: {  	s7 =	simm.s32 $0x2A0  }
0x4f: {  	[tilespmem:s28], [sflag:$0x1] =	stream.indirect.gather [spmem:s2], $0x40, s7, s13, $0xb8;
	[tilespmem:$0x13A40] =	vst v63  }
0x50: {  	s8 =	simm.s32 $0x2D8  }
0x51: {  	[tilespmem:s0], [sflag:$0x1] =	stream.indirect.gather [spmem:s2], $0x40, s8, s13, $0xb8;
	[tilespmem:$0x13A40] =	vst v63  }
0x52: {  	s11 =	simm.s32 $0x310  }
0x53: {  	[tilespmem:s21], [sflag:$0x1] =	stream.indirect.gather [spmem:s2], $0x40, s11, s13, $0xb8;
	[tilespmem:$0x13A40] =	vst v63  }
0x54: {  	s7 =	simm.s32 $0x348  }
0x55: {  	[tilespmem:s31], [sflag:$0x1] =	stream.indirect.gather [spmem:s2], $0x40, s7, s13, $0xb8;
	[tilespmem:$0x13A40] =	vst v63  }
0x56: {  	_ =	swait.ge [sflag:s30], $0xC80  }
0x57: {  	[sflag:s30] =	ssyncset.done $0x0  }
0x58: {  	[sflag:s30] =	ssyncadd.s32 $0xFFFFF380  }
0x59: {  	_ =	swait.ge [sflag:s30], $0xC80  }
0x5a: {  	[sflag:s30] =	ssyncset.done $0x0  }
0x5b: {  	[sflag:s30] =	ssyncadd.s32 $0xFFFFF380  }
0x5c: {  	_ =	swait.ge [sflag:s30], $0xC80  }
0x5d: {  	[sflag:s30] =	ssyncset.done $0x0  }
0x5e: {  	[sflag:s30] =	ssyncadd.s32 $0xFFFFF380  }
0x5f: {  	_ =	swait.ge [sflag:s30], $0xC80  }
0x60: {  	[sflag:s30] =	ssyncset.done $0x0  }
0x61: {  	[sflag:s30] =	ssyncadd.s32 $0xFFFFF380  }
0x62: {  	_ =	swait.ge [sflag:s30], $0xC80  }
0x63: {  	[sflag:s30] =	ssyncset.done $0x0  }
0x64: {  	[sflag:s30] =	ssyncadd.s32 $0xFFFFF380  }
0x65: {  	_ =	swait.ge [sflag:s30], $0xC80  }
0x66: {  	[sflag:s30] =	ssyncset.done $0x0  }
0x67: {  	[sflag:s30] =	ssyncadd.s32 $0xFFFFF380  }
0x68: {  	_ =	swait.ge [sflag:s30], $0xC80  }
0x69: {  	[sflag:s30] =	ssyncset.done $0x0  }
0x6a: {  	[sflag:s30] =	ssyncadd.s32 $0xFFFFF380  }
0x6b: {  	_ =	swait.ge [sflag:s30], $0xC80  }
0x6c: {  	[sflag:s30] =	ssyncset.done $0x0  }
0x6d: {  	s8 =	rddreg [dreg:$0x6];
	[sflag:s30] =	ssyncadd.s32 $0xFFFFF380  }
0x6e: {  	[hbm4b:s8+s3] =	stream.linear.scatter [tilespmem:s1], [sflag:$0x3], $0x6400, $0x38;
	[tilespmem:$0x13A40] =	vst v63  }
0x6f: {  	_ =	swait.ge [sflag:s17], $0x6400  }
0x70: {  	[sflag:s17] =	ssyncset.done $0x0  }
0x71: {  	s11 =	simm.s32 $0x380;
	[sflag:s17] =	ssyncadd.s32 $0xFFFF9C00  }
0x72: {  	[tilespmem:s14], [sflag:$0x1] =	stream.indirect.gather [spmem:s2], $0x40, s11, s13, $0xb8;
	[tilespmem:$0x13A40] =	vst v63  }
0x73: {  	s7 =	simm.s32 $0x3B8  }
0x74: {  	[tilespmem:s16], [sflag:$0x1] =	stream.indirect.gather [spmem:s2], $0x40, s7, s13, $0xb8;
	[tilespmem:$0x13A40] =	vst v63  }
0x75: {  	s8 =	simm.s32 $0x3F0  }
0x76: {  	[tilespmem:s18], [sflag:$0x1] =	stream.indirect.gather [spmem:s2], $0x40, s8, s13, $0xb8;
	[tilespmem:$0x13A40] =	vst v63  }
0x77: {  	s11 =	simm.s32 $0x428  }
0x78: {  	[tilespmem:s20], [sflag:$0x1] =	stream.indirect.gather [spmem:s2], $0x40, s11, s13, $0xb8;
	[tilespmem:$0x13A40] =	vst v63  }
0x79: {  	s7 =	simm.s32 $0x460  }
0x7a: {  	[tilespmem:s22], [sflag:$0x1] =	stream.indirect.gather [spmem:s2], $0x40, s7, s13, $0xb8;
	[tilespmem:$0x13A40] =	vst v63  }
0x7b: {  	s8 =	simm.s32 $0x498  }
0x7c: {  	[tilespmem:s24], [sflag:$0x1] =	stream.indirect.gather [spmem:s2], $0x40, s8, s13, $0xb8;
	[tilespmem:$0x13A40] =	vst v63  }
0x7d: {  	s11 =	simm.s32 $0x4D0  }
0x7e: {  	[tilespmem:s26], [sflag:$0x1] =	stream.indirect.gather [spmem:s2], $0x40, s11, s13, $0xb8;
	[tilespmem:$0x13A40] =	vst v63  }
0x7f: {  	s7 =	simm.s32 $0x508  }
0x80: {  	[tilespmem:s29], [sflag:$0x1] =	stream.indirect.gather [spmem:s2], $0x40, s7, s13, $0xb8;
	[tilespmem:$0x13A40] =	vst v63  }
0x81: {  	_ =	swait.ge [sflag:s30], $0xC80  }
0x82: {  	[sflag:s30] =	ssyncset.done $0x0  }
0x83: {  	[sflag:s30] =	ssyncadd.s32 $0xFFFFF380  }
0x84: {  	_ =	swait.ge [sflag:s30], $0xC80  }
0x85: {  	[sflag:s30] =	ssyncset.done $0x0  }
0x86: {  	[sflag:s30] =	ssyncadd.s32 $0xFFFFF380  }
0x87: {  	_ =	swait.ge [sflag:s30], $0xC80  }
0x88: {  	[sflag:s30] =	ssyncset.done $0x0  }
0x89: {  	[sflag:s30] =	ssyncadd.s32 $0xFFFFF380  }
0x8a: {  	_ =	swait.ge [sflag:s30], $0xC80  }
0x8b: {  	[sflag:s30] =	ssyncset.done $0x0  }
0x8c: {  	[sflag:s30] =	ssyncadd.s32 $0xFFFFF380  }
0x8d: {  	_ =	swait.ge [sflag:s30], $0xC80  }
0x8e: {  	[sflag:s30] =	ssyncset.done $0x0  }
0x8f: {  	[sflag:s30] =	ssyncadd.s32 $0xFFFFF380  }
0x90: {  	_ =	swait.ge [sflag:s30], $0xC80  }
0x91: {  	[sflag:s30] =	ssyncset.done $0x0  }
0x92: {  	[sflag:s30] =	ssyncadd.s32 $0xFFFFF380  }
0x93: {  	_ =	swait.ge [sflag:s30], $0xC80  }
0x94: {  	[sflag:s30] =	ssyncset.done $0x0  }
0x95: {  	[sflag:s30] =	ssyncadd.s32 $0xFFFFF380  }
0x96: {  	_ =	swait.ge [sflag:s30], $0xC80  }
0x97: {  	[sflag:s30] =	ssyncset.done $0x0  }
0x98: {  	[sflag:s30] =	ssyncadd.s32 $0xFFFFF380  }
0x99: {  	[hbm4b:s9+s3] =	stream.linear.scatter [tilespmem:s14], [sflag:$0x2], $0x6400, $0x38;
	[tilespmem:$0x13A40] =	vst v63  }
0x9a: {  	_ =	swait.ge [sflag:s25], $0x6400  }
0x9b: {  	[sflag:s25] =	ssyncset.done $0x0  }
0x9c: {  	s8 =	simm.s32 $0x540;
	[sflag:s25] =	ssyncadd.s32 $0xFFFF9C00  }
0x9d: {  	[tilespmem:s1], [sflag:$0x1] =	stream.indirect.gather [spmem:s2], $0x40, s8, s13, $0xb8;
	[tilespmem:$0x13A40] =	vst v63  }
0x9e: {  	s11 =	simm.s32 $0x578  }
0x9f: {  	[tilespmem:s15], [sflag:$0x1] =	stream.indirect.gather [spmem:s2], $0x40, s11, s13, $0xb8;
	[tilespmem:$0x13A40] =	vst v63  }
0xa0: {  	s7 =	simm.s32 $0x5B0  }
0xa1: {  	[tilespmem:s19], [sflag:$0x1] =	stream.indirect.gather [spmem:s2], $0x40, s7, s13, $0xb8;
	[tilespmem:$0x13A40] =	vst v63  }
0xa2: {  	s8 =	simm.s32 $0x5E8  }
0xa3: {  	[tilespmem:s23], [sflag:$0x1] =	stream.indirect.gather [spmem:s2], $0x40, s8, s13, $0xb8;
	[tilespmem:$0x13A40] =	vst v63  }
0xa4: {  	s11 =	simm.s32 $0x620  }
0xa5: {  	[tilespmem:s28], [sflag:$0x1] =	stream.indirect.gather [spmem:s2], $0x40, s11, s13, $0xb8;
	[tilespmem:$0x13A40] =	vst v63  }
0xa6: {  	s7 =	simm.s32 $0x658  }
0xa7: {  	[tilespmem:s0], [sflag:$0x1] =	stream.indirect.gather [spmem:s2], $0x40, s7, s13, $0xb8;
	[tilespmem:$0x13A40] =	vst v63  }
0xa8: {  	s8 =	simm.s32 $0x690  }
0xa9: {  	[tilespmem:s21], [sflag:$0x1] =	stream.indirect.gather [spmem:s2], $0x40, s8, s13, $0xb8;
	[tilespmem:$0x13A40] =	vst v63  }
0xaa: {  	s11 =	simm.s32 $0x6C8  }
0xab: {  	[tilespmem:s31], [sflag:$0x1] =	stream.indirect.gather [spmem:s2], $0x40, s11, s13, $0xb8;
	[tilespmem:$0x13A40] =	vst v63  }
0xac: {  	_ =	swait.ge [sflag:s30], $0xC80  }
0xad: {  	[sflag:s30] =	ssyncset.done $0x0  }
0xae: {  	[sflag:s30] =	ssyncadd.s32 $0xFFFFF380  }
0xaf: {  	_ =	swait.ge [sflag:s30], $0xC80  }
0xb0: {  	[sflag:s30] =	ssyncset.done $0x0  }
0xb1: {  	[sflag:s30] =	ssyncadd.s32 $0xFFFFF380  }
0xb2: {  	_ =	swait.ge [sflag:s30], $0xC80  }
0xb3: {  	[sflag:s30] =	ssyncset.done $0x0  }
0xb4: {  	[sflag:s30] =	ssyncadd.s32 $0xFFFFF380  }
0xb5: {  	_ =	swait.ge [sflag:s30], $0xC80  }
0xb6: {  	[sflag:s30] =	ssyncset.done $0x0  }
0xb7: {  	[sflag:s30] =	ssyncadd.s32 $0xFFFFF380  }
0xb8: {  	_ =	swait.ge [sflag:s30], $0xC80  }
0xb9: {  	[sflag:s30] =	ssyncset.done $0x0  }
0xba: {  	[sflag:s30] =	ssyncadd.s32 $0xFFFFF380  }
0xbb: {  	_ =	swait.ge [sflag:s30], $0xC80  }
0xbc: {  	[sflag:s30] =	ssyncset.done $0x0  }
0xbd: {  	[sflag:s30] =	ssyncadd.s32 $0xFFFFF380  }
0xbe: {  	_ =	swait.ge [sflag:s30], $0xC80  }
0xbf: {  	[sflag:s30] =	ssyncset.done $0x0  }
0xc0: {  	[sflag:s30] =	ssyncadd.s32 $0xFFFFF380  }
0xc1: {  	_ =	swait.ge [sflag:s30], $0xC80  }
0xc2: {  	s6 =	simm.s32 $0xE00;
	[sflag:s30] =	ssyncset.done $0x0  }
0xc3: {  	s7 =	sadd.s32 $0x1900, s9;
	s8 =	sadd.s32 $0xC80, s9;
	[sflag:s30] =	ssyncadd.s32 $0xFFFFF380  }
.LBB2_2:
0xc4: {  	[hbm4b:s8+s3] =	stream.linear.scatter [tilespmem:s1], [sflag:$0x3], $0x6400, $0x38;
	[tilespmem:$0x13A40] =	vst v63  }
0xc5: {  	s8 =	smov.u32 s6  }
0xc6: {  	p0 =	sne.s32 s6, $0x1A400;
	s6 =	sadd.s32 $0xE00, s6;
	_ =	swait.ge [sflag:s17], $0x6400  }
0xc7: {  	s8 =	sshra.s32 s8, $0x2;
	[sflag:s17] =	ssyncset.done $0x0  }
0xc8: {  	s11 =	sadd.s32 $0x380, s8;
	[sflag:s17] =	ssyncadd.s32 $0xFFFF9C00  }
0xc9: {  	[tilespmem:s14], [sflag:$0x1] =	stream.indirect.gather [spmem:s2], $0x40, s11, s13, $0xb8;
	[tilespmem:$0x13A40] =	vst v63  }
0xca: {  	s11 =	sadd.s32 $0x3B8, s8  }
0xcb: {  	[tilespmem:s16], [sflag:$0x1] =	stream.indirect.gather [spmem:s2], $0x40, s11, s13, $0xb8;
	[tilespmem:$0x13A40] =	vst v63  }
0xcc: {  	s11 =	sadd.s32 $0x3F0, s8  }
0xcd: {  	[tilespmem:s18], [sflag:$0x1] =	stream.indirect.gather [spmem:s2], $0x40, s11, s13, $0xb8;
	[tilespmem:$0x13A40] =	vst v63  }
0xce: {  	s11 =	sadd.s32 $0x428, s8  }
0xcf: {  	[tilespmem:s20], [sflag:$0x1] =	stream.indirect.gather [spmem:s2], $0x40, s11, s13, $0xb8;
	[tilespmem:$0x13A40] =	vst v63  }
0xd0: {  	s11 =	sadd.s32 $0x460, s8  }
0xd1: {  	[tilespmem:s22], [sflag:$0x1] =	stream.indirect.gather [spmem:s2], $0x40, s11, s13, $0xb8;
	[tilespmem:$0x13A40] =	vst v63  }
0xd2: {  	s11 =	sadd.s32 $0x498, s8  }
0xd3: {  	[tilespmem:s24], [sflag:$0x1] =	stream.indirect.gather [spmem:s2], $0x40, s11, s13, $0xb8;
	[tilespmem:$0x13A40] =	vst v63  }
0xd4: {  	s11 =	sadd.s32 $0x4D0, s8  }
0xd5: {  	[tilespmem:s26], [sflag:$0x1] =	stream.indirect.gather [spmem:s2], $0x40, s11, s13, $0xb8;
	[tilespmem:$0x13A40] =	vst v63  }
0xd6: {  	s11 =	sadd.s32 $0x508, s8  }
0xd7: {  	[tilespmem:s29], [sflag:$0x1] =	stream.indirect.gather [spmem:s2], $0x40, s11, s13, $0xb8;
	[tilespmem:$0x13A40] =	vst v63  }
0xd8: {  	_ =	swait.ge [sflag:s30], $0xC80  }
0xd9: {  	[sflag:s30] =	ssyncset.done $0x0  }
0xda: {  	[sflag:s30] =	ssyncadd.s32 $0xFFFFF380  }
0xdb: {  	_ =	swait.ge [sflag:s30], $0xC80  }
0xdc: {  	[sflag:s30] =	ssyncset.done $0x0  }
0xdd: {  	[sflag:s30] =	ssyncadd.s32 $0xFFFFF380  }
0xde: {  	_ =	swait.ge [sflag:s30], $0xC80  }
0xdf: {  	[sflag:s30] =	ssyncset.done $0x0  }
0xe0: {  	[sflag:s30] =	ssyncadd.s32 $0xFFFFF380  }
0xe1: {  	_ =	swait.ge [sflag:s30], $0xC80  }
0xe2: {  	[sflag:s30] =	ssyncset.done $0x0  }
0xe3: {  	[sflag:s30] =	ssyncadd.s32 $0xFFFFF380  }
0xe4: {  	_ =	swait.ge [sflag:s30], $0xC80  }
0xe5: {  	[sflag:s30] =	ssyncset.done $0x0  }
0xe6: {  	[sflag:s30] =	ssyncadd.s32 $0xFFFFF380  }
0xe7: {  	_ =	swait.ge [sflag:s30], $0xC80  }
0xe8: {  	[sflag:s30] =	ssyncset.done $0x0  }
0xe9: {  	[sflag:s30] =	ssyncadd.s32 $0xFFFFF380  }
0xea: {  	_ =	swait.ge [sflag:s30], $0xC80  }
0xeb: {  	[sflag:s30] =	ssyncset.done $0x0  }
0xec: {  	[sflag:s30] =	ssyncadd.s32 $0xFFFFF380  }
0xed: {  	_ =	swait.ge [sflag:s30], $0xC80  }
0xee: {  	[sflag:s30] =	ssyncset.done $0x0  }
0xef: {  	[sflag:s30] =	ssyncadd.s32 $0xFFFFF380  }
0xf0: {  	[hbm4b:s7+s3] =	stream.linear.scatter [tilespmem:s14], [sflag:$0x2], $0x6400, $0x38;
	[tilespmem:$0x13A40] =	vst v63  }
0xf1: {  	_ =	swait.ge [sflag:s25], $0x6400  }
0xf2: {  	[sflag:s25] =	ssyncset.done $0x0  }
0xf3: {  	s11 =	sadd.s32 $0x540, s8;
	[sflag:s25] =	ssyncadd.s32 $0xFFFF9C00  }
0xf4: {  	[tilespmem:s1], [sflag:$0x1] =	stream.indirect.gather [spmem:s2], $0x40, s11, s13, $0xb8;
	[tilespmem:$0x13A40] =	vst v63  }
0xf5: {  	s11 =	sadd.s32 $0x578, s8  }
0xf6: {  	[tilespmem:s15], [sflag:$0x1] =	stream.indirect.gather [spmem:s2], $0x40, s11, s13, $0xb8;
	[tilespmem:$0x13A40] =	vst v63  }
0xf7: {  	s11 =	sadd.s32 $0x5B0, s8  }
0xf8: {  	[tilespmem:s19], [sflag:$0x1] =	stream.indirect.gather [spmem:s2], $0x40, s11, s13, $0xb8;
	[tilespmem:$0x13A40] =	vst v63  }
0xf9: {  	s11 =	sadd.s32 $0x5E8, s8  }
0xfa: {  	[tilespmem:s23], [sflag:$0x1] =	stream.indirect.gather [spmem:s2], $0x40, s11, s13, $0xb8;
	[tilespmem:$0x13A40] =	vst v63  }
0xfb: {  	s11 =	sadd.s32 $0x620, s8  }
0xfc: {  	[tilespmem:s28], [sflag:$0x1] =	stream.indirect.gather [spmem:s2], $0x40, s11, s13, $0xb8;
	[tilespmem:$0x13A40] =	vst v63  }
0xfd: {  	s11 =	sadd.s32 $0x658, s8  }
0xfe: {  	[tilespmem:s0], [sflag:$0x1] =	stream.indirect.gather [spmem:s2], $0x40, s11, s13, $0xb8;
	[tilespmem:$0x13A40] =	vst v63  }
0xff: {  	s11 =	sadd.s32 $0x690, s8  }
0x100: {  	[tilespmem:s21], [sflag:$0x1] =	stream.indirect.gather [spmem:s2], $0x40, s11, s13, $0xb8;
	[tilespmem:$0x13A40] =	vst v63  }
0x101: {  	s8 =	sadd.s32 $0x6C8, s8  }
0x102: {  	[tilespmem:s31], [sflag:$0x1] =	stream.indirect.gather [spmem:s2], $0x40, s8, s13, $0xb8;
	[tilespmem:$0x13A40] =	vst v63  }
0x103: {  	_ =	swait.ge [sflag:s30], $0xC80  }
0x104: {  	[sflag:s30] =	ssyncset.done $0x0  }
0x105: {  	[sflag:s30] =	ssyncadd.s32 $0xFFFFF380  }
0x106: {  	_ =	swait.ge [sflag:s30], $0xC80  }
0x107: {  	[sflag:s30] =	ssyncset.done $0x0  }
0x108: {  	[sflag:s30] =	ssyncadd.s32 $0xFFFFF380  }
0x109: {  	_ =	swait.ge [sflag:s30], $0xC80  }
0x10a: {  	[sflag:s30] =	ssyncset.done $0x0  }
0x10b: {  	[sflag:s30] =	ssyncadd.s32 $0xFFFFF380  }
0x10c: {  	_ =	swait.ge [sflag:s30], $0xC80  }
0x10d: {  	[sflag:s30] =	ssyncset.done $0x0  }
0x10e: {  	[sflag:s30] =	ssyncadd.s32 $0xFFFFF380  }
0x10f: {  	_ =	swait.ge [sflag:s30], $0xC80  }
0x110: {  	[sflag:s30] =	ssyncset.done $0x0  }
0x111: {  	[sflag:s30] =	ssyncadd.s32 $0xFFFFF380  }
0x112: {  	_ =	swait.ge [sflag:s30], $0xC80  }
0x113: {  	[sflag:s30] =	ssyncset.done $0x0  }
0x114: {  	[sflag:s30] =	ssyncadd.s32 $0xFFFFF380  }
0x115: {  	_ =	swait.ge [sflag:s30], $0xC80  }
.Ltmp0:
0x116: {  	[sflag:s30] =	ssyncset.done $0x0;
	(pc) =	sbr.rel @p0 .LBB2_2-.Ltmp0, $4  }
0x117: {  	[sflag:s30] =	ssyncadd.s32 $0xFFFFF380  }
0x118: {  	_ =	swait.ge [sflag:s30], $0xC80  }
0x119: {  	[sflag:s30] =	ssyncset.done $0x0  }
0x11a: {  	s8 =	sadd.s32 $0xC80, s7;
	s7 =	sadd.s32 $0x1900, s7;
	[sflag:s30] =	ssyncadd.s32 $0xFFFFF380  }
0x11b: {  	[hbm4b:s8+s3] =	stream.linear.scatter [tilespmem:s1], [sflag:$0x3], $0x6400, $0x38;
	[tilespmem:$0x13A40] =	vst v63  }
0x11c: {  	_ =	swait.ge [sflag:s17], $0x6400  }
0x11d: {  	[sflag:s17] =	ssyncset.done $0x0  }
0x11e: {  	[sflag:s17] =	ssyncadd.s32 $0xFFFF9C00  }
0x11f: {  	_ =	swait.ge [sflag:s25], $0x6400  }
0x120: {  	s4 =	sadd.s32 $0x1, s4;
	s6 =	rddreg [dreg:$0x7]  }
0x121: {  	p0 =	sne.s32 s4, s6  }
.Ltmp1:
0x122: {  	_ = 	snop;
	(pc) =	sbr.rel @p0 .LBB2_1-.Ltmp1, $3  }
0x123: {  	_ =	sdelay $0x1  }
0x124: {  	[sflag:s25] =	ssyncset.done $0x0  }
0x125: {  	[sflag:s25] =	ssyncadd.s32 $0xFFFF9C00  }
0x126: {  	_ =	sfence.sel $0x180000  }
0x127: {  	[bflag:$0x0] =	sbarrier.arrive $0xFFFF  }
0x128: {  	_ =	strace $0x90000047  }
0x129: {  	s0 =	stileid.u32;
	[bflag:$0x2] =	sbarrier.arrive $0xFFFF  }
0x12a: {  	p0 =	sne.s32 s0, $0x0;
	s0 =	rddreg [dreg:$0x3]  }
0x12b: {  	s0 =	sadd.s32 @!p0 $0x100000, s0  }
0x12c: {  	[sflag:s0] =	ssyncadd.tile.s32 @!p0 $0x1;
	_ =	shalt  }
.Lfunc_end2:
_tile_overlayer_lowered:
.L_overlay_start_2:
0x12d: {  	(tag) =	ssettag $0x2  }
0x12e: {  	s0 =	rddreg [dreg:$0x0];
	s2 =	stileid.u32  }
0x12f: {  	s1 =	rddreg [dreg:$0x1];
	p0 =	sne.s32 s2, $0x0  }
0x130: {  	s3 =	rddreg [dreg:$0x2];
	[bflag:$0x3] =	sbarrier.arrive $0xFFFF;
	s2 =	simm.s32 @!p0 $0x1C04  }
0x131: {  	[timem:s3], [sflag:s2] =	dma.local @!p0 [hbm:s0], s1  }
0x132: {  	s0 =	simm.s32 @!p0 $0x4  }
0x133: {  	_ =	swait.ge @!p0 [sflag:s0], s1  }
0x134: {  	s1 =	ssub.s32 @!p0 $0x0, s1;
	[sflag:s0] =	ssyncset.done @!p0 $0x0  }
0x135: {  	[sflag:s0] =	ssyncadd.s32 @!p0 s1  }
0x136: {  	[bflag:$0x3] =	sbarrier.arrive $0xFFFF  }
0x137: {  	_ =	shalt  }

// kernel: sparse-core-data-format-call.cloned.1.call-start
scs
called_computation_lowered:
.L_overlay_start_0:
0x0: {  	s2 =	sld [smem:$0x3FD9]  }
0x1: {  	s3 =	sld [smem:$0x3FFE];
	_ =	sdelay $0x1  }
0x2: {  	s1 =	srdreg.scid  }
0x3: {  	s0 =	sand.u32 $0x1, s1  }
0x4: {  	s18 =	sshll.u32 s0, $0xA;
	s2 =	sadd.s32 s3, s2  }
0x5: {  	s2 =	sadd.s32 s2, s18  }
0x6: {  	[smem:$0x3FC6] =	sst s2  }
0x7: {  	_ = 	snop  }
0x8: {  	s2 =	sld [smem:$0x3FD0];
	(tm) =	ssettm $0x1  }
0x9: {  	s19 =	sld [smem:$0x3FFB];
	_ =	sdelay $0x3  }
0xa: {  	_ =	strace s19  }
0xb: {  	s3 =	sld [smem:$0x3FFC];
	_ =	sdelay $0x3  }
0xc: {  	_ =	strace s3  }
0xd: {  	s3 =	sld [smem:$0x3FFD];
	_ =	sdelay $0x3  }
0xe: {  	_ =	strace s3  }
0xf: {  	_ =	strace $0x8FFFFFFF  }
0x10: {  	s20 =	sld [smem:$0x3FDB];
	_ =	sdelay $0x1  }
0x11: {  	s4 =	simm.s32 $_scs_section_size  }
0x12: {  	s5 =	simm.s32 $_size__tile_overlayer_lowered;
	s6 =	simm.s32 $_tile_overlayer_lowered  }
0x13: {  	s23 =	simm.s32 $0x1BFF;
	s22 =	sshll.u32 s6, $0x1;
	s3 =	sadd.s32 s4, s20  }
0x14: {  	s7 =	simm.s32 $0x0;
	s21 =	sshll.u32 s5, $0x1;
	s5 =	sadd.s32 s22, s3  }
0x15: {  	[timem:s7], [sflag:s23] =	dma.local [hbm:s5], s21  }
0x16: {  	_ =	swait.ge [sflag:s23], s21  }
0x17: {  	s4 =	ssub.s32 $0x0, s21;
	[sflag:s23] =	ssyncset.done $0x0  }
0x18: {  	[sflag:s23] =	ssyncadd.s32 s4;
	_ =	sdelay $0x1  }
0x19: {  	s24 =	simm.s32 $0x1B8B  }
0x1a: {  	_ =	swait.ge [sflag:s24], $0x1  }
0x1b: {  	[sflag:s24] =	ssyncset.done $0x0  }
0x1c: {  	s26 =	simm.s32 $0x1B8E;
	s25 =	sld [smem:$0x3FFE];
	[sflag:s24] =	ssyncadd.s32 $0xFFFFFFFF  }
0x1d: {  	s27 =	simm.s32 $execute0_lowered;
	[smem:$0x3FD2] =	sst s26  }
0x1e: {  	s5 =	sshll.u32 s27, $0x1;
	_ =	strace $0x80000049;
	[dreg:$0x1] =	wrdreg $0xFFFFFFFF  }
0x1f: {  	s28 =	simm.s32 $_size_execute0_lowered;
	s3 =	sadd.s32 s3, s5;
	[dreg:$0x0] =	wrdreg $0x0  }
0x20: {  	s5 =	sshll.u32 s28, $0x1;
	[dreg:$0x2] =	wrdreg s3  }
0x21: {  	[dreg:$0x3] =	wrdreg s5  }
0x22: {  	[dreg:$0x4] =	wrdreg $0xC0  }
0x23: {  	_ =	task [dreg:s7], $0x5FFFF  }
0x24: {  	[dreg:$0x1] =	wrdreg $0xFFFFFFFF  }
0x25: {  	[dreg:$0x0] =	wrdreg $0x60  }
0x26: {  	[dreg:$0x2] =	wrdreg s25  }
0x27: {  	[dreg:$0x3] =	wrdreg s2  }
0x28: {  	[dreg:$0x4] =	wrdreg $0x9  }
0x29: {  	_ =	task.clear_ibuf [dreg:s7], $0x5FFFF;
	_ =	strace $0x90000049  }
0x2a: {  	s29 =	simm.s32 $0x9;
	_ =	strace $0x8000004B  }
0x2b: {  	_ =	swait.ge [sflag:s29], $0x1  }
0x2c: {  	[sflag:s29] =	ssyncadd.s32 $0xFFFFFFFF  }
0x2d: {  	_ =	strace $0x9000004B  }
0x2e: {  	_ =	sfence  }
0x2f: {  	s30 =	sld [smem:$0x0];
	_ =	sdelay $0x2  }
0x30: {  	s31 =	sshll.u32 s1, $0xD;
	s1 =	sshrl.u32 s1, $0x2  }
0x31: {  	s3 =	sand.u32 $0x4000, s31;
	s1 =	sadd.s32 s1, s30  }
0x32: {  	s0 =	sor.u32 s3, s0;
	s1 =	sshll.u32 s1, $0x11  }
0x33: {  	s0 =	sor.u32 s1, s0  }
0x34: {  	s0 =	sadd.s32 $0x8F2B, s0  }
0x35: {  	[sflag:s0] =	ssyncadd.remote.s32 $0x1  }
0x36: {  	_ =	sfence.sel $0xFFFF  }
0x37: {  	[dreg:$0x0] =	wrdreg $0xFFFFFFFF;
	(pc) =	sbr.abs _section_cstart, $3  }
0x38: {  	[dreg:$0x1] =	wrdreg $0xFFFFFFFF  }
0x39: {  	_ =	task.clear_ibuf [dreg:s7], $0x2FFFF;
	_ =	strace $0x9FFFFFFF  }
0x3a: {  	(tm) =	ssettm $0x7FFFFFFF  }
0x3b: {  	_ =	shalt  }
tec
execute0_lowered:
.L_overlay_start_1:
0x0: {  	(tag) =	ssettag $0x1  }
0x1: {  	s0 =	srdreg.scid  }
0x2: {  	s1 =	sshll.u32 s0, $0x4  }
0x3: {  	s0 =	stileid.u32;
	s1 =	sand.u32 $0x10, s1  }
0x4: {  	s1 =	sor.u32 s0, s1  }
0x5: {  	s6 =	rddreg [dreg:$0x0];
	s4 =	simm.s32 $0x1;
	s2 =	sshll.u32 s1, $0x7  }
0x6: {  	s7 =	simm.s32 $0x2;
	s12 =	simm.s32 $0x0;
	s1 =	ssub.s32 $0x4000, s2  }
0x7: {  	s8 =	simm.s32 $0x20000;
	s13 =	simm.s32 $0x0;
	s3 =	sand.u32 $0xF80, s1  }
0x8: {  	s9 =	simm.s32 $0x0;
	s5 =	sshrl.u32 s1, $0xC;
	p0 =	sne.s32 s3, $0x0  }
.Ltmp0:
0x9: {  	s1 =	rddreg [dreg:$0x2];
	s4 =	simm.s32 @!p0 $0x0;
	(pc) =	sbr.rel .LBB1_1-.Ltmp0, $4  }
0xa: {  	s11 =	simm.s32 $0x0;
	s3 =	rddreg [dreg:$0x1];
	s5 =	sadd.s32 s4, s5  }
0xb: {  	_ =	strace $0x8000004A;
	s4 =	simm.s32 $0x1;
	s5 =	smul.u32 $0x32, s5  }
0xc: {  	s6 =	sadd.s32 $0x800, s6;
	s10 =	smov.u32 s2;
	[sflag:s4] =	ssyncpa.u1 $0x0  }
0xd: {  	p0 =	por $0x0, $0x0;
	[sflag:s7] =	ssyncpa.u1 $0x0;
	s7 =	sor.u32 $0x1, s5  }
.LBB1_4:
0xe: {  	s16 =	sshll.u32 s13, $0x3;
	s17 =	sand.u32 $0x78, s13  }
0xf: {  	s30 =	sand.u32 $0x1F800, s13;
	s12 =	sshll.u32 s12, $0x11;
	s16 =	sand.u32 $0x3C00, s16  }
0x10: {  	[tilespmem:s15+$0x810 ss:$0x81] =	vst.msk $0xffff, v2;
	s31 =	sand.u32 $0x7, s13;
	s16 =	sor.u32 s17, s16;
	s17 =	sadd.s32 s3, s30  }
0x11: {  	[tilespmem:s15+$0x1020 ss:$0x81] =	vst.msk $0xffff, v0;
	s13 =	sshll.u32 s31, $0x12;
	s12 =	sadd.s32 s12, s17;
	s16 =	sshrl.u32 s16, $0x3  }
0x12: {  	[tilespmem:s15+$0x0 ss:$0x81] =	vst.msk $0xffff, v1;
	s13 =	sor.u32 $0x400, s13;
	s12 =	sadd.s32 s16, s12  }
0x13: {  	[hbm4b:s12+s13] =	stream.strided.scatter [tilespmem:s14], [sflag:$0x2], $0x2000, s8, s13, $0x20;
	[tilespmem:$0x8080] =	vst v63  }
.LBB1_5:
0x14: {  	s14 =	sadd.s32 $0x1, s9  }
0x15: {  	s12 =	sadd.s32 $0x1000, s10;
	s16 =	smov.u32 s10;
	p2 =	sgt.s32 s14, $0x31  }
0x16: {  	s16 =	smov.u32 @p2 s12  }
0x17: {  	s14 =	simm.s32 @p2 $0x0;
	p2 =	sgt.s32 s16, $0x3FFF  }
0x18: {  	s16 =	smov.u32 @p2 s2;
	p2 =	sne.s32 s11, s7  }
.Ltmp1:
0x19: {  	p1 =	slt.u32 s11, $0x2;
	(pc) =	sbr.rel @!p2 .LBB1_6-.Ltmp1, $4  }
0x1a: {  	s15 =	simm.s32 @!p1 $0x2  }
0x1b: {  	s13 =	smov.u32 s10;
	p0 =	por !p0, !p0;
	_ =	swait.ge @!p1 [sflag:s15], $0x2000  }
0x1c: {  	s12 =	smov.u32 s9;
	[sflag:s15] =	ssyncset.done @!p1 $0x0;
	s9 =	smov.u32 s14  }
0x1d: {  	s11 =	sadd.s32 $0x1, s11;
	[sflag:s15] =	ssyncadd.s32 @!p1 $0xFFFFE000;
	s10 =	smov.u32 s16  }
.LBB1_1:
0x1e: {  	p1 =	sge.u32 s11, s5  }
0x1f: {  	s14 =	sand.u32 @!p1 $0x1FFFFFF, s9  }
0x20: {  	s15 =	smulhi.u32 @!p1 $0x4924925, s14;
	_ =	sdelay $0x1  }
0x21: {  	s15 =	smul.u32 @!p1 $0x38, s15  }
0x22: {  	s16 =	sxor.u32 @!p1 $0xFFFFFFFF, s11;
	s17 =	smul.u32 @!p1 $0x380, s10  }
0x23: {  	s31 =	sadd.s32 $0xFFFFFFFF, s11;
	s16 =	sshll.u32 @!p1 s16, $0xD;
	s14 =	ssub.s32 @!p1 s14, s15  }
0x24: {  	s15 =	sand.u32 @!p1 $0x2000, s16;
	s16 =	sadd.s32 @!p1 s6, s17;
	s14 =	sshll.u32 @!p1 s14, $0x4  }
0x25: {  	s17 =	simm.s32 @!p1 $0x1C00;
	s14 =	sadd.s32 @!p1 s14, s16;
	s16 =	simm.s32 @!p1 $0x40  }
0x26: {  	[tilespmem:s15], [sflag:$0x1] =	stream.strided.gather @!p1 [hbm4b:s14+s16], $0x2000, s17, s16, $0x38;
	[tilespmem:$0x8080] =	vst v63  }
0x27: {  	p1 =	sge.u32 s31, s5  }
.Ltmp2:
0x28: {  	_ = 	snop;
	(pc) =	sbr.rel @p1 .LBB1_5-.Ltmp2, $1  }
0x29: {  	_ =	sdelay $0x3  }
0x2a: {  	s14 =	simm.s32 $0x1  }
0x2b: {  	_ =	swait.ge [sflag:s4], $0x2000;
	s14 =	simm.s32 @!p0 $0x0  }
0x2c: {  	[sflag:s4] =	ssyncset.done $0x0;
	s15 =	sshll.u32 s14, $0xD  }
0x2d: {  	[sflag:s4] =	ssyncadd.s32 $0xFFFFE000;
	s18 =	sor.u32 $0x20, s15  }
0x2e: {  	s14 =	smul.u32 $0x8100, s14;
	v3 =	vld [tilespmem:s18+$0x10]  }
0x2f: {  	s30 =	sand.u32 $0x1, s11;
	v2 =	vld [tilespmem:s18+$0xFFFFFFF0]  }
0x30: {  	s15 =	smul.u32 $0x8100, s30;
	s14 =	sshrl.u32 s14, $0x2;
	v0 =	vld [tilespmem:s18+$0x0]  }
0x31: {  	v1 =	vld [tilespmem:s18+$0xFFFFFFE0];
	s16 =	sor.u32 $0x4000, s14  }
0x32: {  	s31 =	sshrl.u32 s15, $0x2;
	s15 =	sadd.s32 $0x0, s16  }
0x33: {  	s17 =	simm.s32 $0x4;
	s18 =	sadd.s32 $0x40, s18;
	s14 =	sor.u32 $0x4000, s31;
	[tilespmem:s15+$0x1830 ss:$0x81] =	vst.msk $0xffff, v3  }
.LBB1_3:
0x34: {  	v3 =	vld [tilespmem:s18+$0x10];
	p1 =	sne.s32 s17, $0x1FC;
	[tilespmem:s15+$0x810 ss:$0x81] =	vst.msk $0xffff, v2;
	s19 =	smov.u32 s17;
	s17 =	sadd.s32 $0x4, s17  }
.Ltmp3:
0x35: {  	v2 =	vld [tilespmem:s18+$0xFFFFFFF0];
	[tilespmem:s15+$0x1020 ss:$0x81] =	vst.msk $0xffff, v0;
	(pc) =	sbr.rel @p1 .LBB1_3-.Ltmp3, $4  }
0x36: {  	v0 =	vld [tilespmem:s18+$0x0];
	[tilespmem:s15+$0x0 ss:$0x81] =	vst.msk $0xffff, v1  }
0x37: {  	s15 =	sshra.s32 s19, $0x2;
	v1 =	vld [tilespmem:s18+$0xFFFFFFE0]  }
0x38: {  	s15 =	sadd.s32 s15, s16  }
0x39: {  	s18 =	sadd.s32 $0x40, s18;
	[tilespmem:s15+$0x1830 ss:$0x81] =	vst.msk $0xffff, v3  }
.Ltmp4:
0x3a: {  	_ = 	snop;
	(pc) =	sbr.rel .LBB1_4-.Ltmp4, $1  }
0x3b: {  	_ =	sdelay $0x3  }
.LBB1_6:
0x3c: {  	_ =	sfence.sel $0x180000  }
0x3d: {  	s2 =	simm.s32 $0x1;
	[bflag:$0x0] =	sbarrier.arrive $0xFFFF  }
0x3e: {  	s31 =	simm.s32 $0x2;
	[sflag:s2] =	ssyncpa.u1 $0x1  }
0x3f: {  	[sflag:s31] =	ssyncpa.u1 $0x1  }
0x40: {  	p0 =	sne.s32 s0, $0x0;
	_ =	strace $0x9000004A  }
0x41: {  	s0 =	sadd.s32 @!p0 $0x100000, s1;
	[bflag:$0x2] =	sbarrier.arrive $0xFFFF  }
0x42: {  	[sflag:s0] =	ssyncadd.tile.s32 @!p0 $0x1;
	_ =	shalt  }
.Lfunc_end1:
_tile_overlayer_lowered:
.L_overlay_start_2:
0x43: {  	(tag) =	ssettag $0x2  }
0x44: {  	s0 =	rddreg [dreg:$0x0];
	s2 =	stileid.u32  }
0x45: {  	s1 =	rddreg [dreg:$0x1];
	p0 =	sne.s32 s2, $0x0  }
0x46: {  	s3 =	rddreg [dreg:$0x2];
	[bflag:$0x3] =	sbarrier.arrive $0xFFFF;
	s2 =	simm.s32 @!p0 $0x1C01  }
0x47: {  	[timem:s3], [sflag:s2] =	dma.local @!p0 [hbm:s0], s1  }
0x48: {  	s0 =	simm.s32 @!p0 $0x1  }
0x49: {  	_ =	swait.ge @!p0 [sflag:s0], s1  }
0x4a: {  	s1 =	ssub.s32 @!p0 $0x0, s1;
	[sflag:s0] =	ssyncset.done @!p0 $0x0  }
0x4b: {  	[sflag:s0] =	ssyncadd.s32 @!p0 s1  }
0x4c: {  	[bflag:$0x3] =	sbarrier.arrive $0xFFFF  }
0x4d: {  	_ =	shalt  }

</sc_bundles>
